<compile_context>
chip_gen: v7x
topology: tpu7x:2x2x1
jax: 0.10.2.dev20260603
libtpu: 0.0.44.dev20260713+nightly
codegen_flags: <defaults>
</compile_context>

<pallas_src>
import functools

import jax
import jax.numpy as jnp
from jax import lax
from jax.experimental import pallas as pl
from jax.experimental.pallas import tpu as pltpu
from jax.experimental.pallas import tpu_sc as plsc

_C = 128
_LANES = 16
_NC = 2
_NS = 16
_NW = _NC * _NS
_R = 256
_NBUF = 2


def _build(n):
    rpw = n // _NW
    nchunk = rpw // _R
    tile_words = _R * _C

    mesh = plsc.VectorSubcoreMesh(core_axis_name="c", subcore_axis_name="s")

    @functools.partial(
        pl.kernel,
        out_type=jax.ShapeDtypeStruct((n * _C,), jnp.float32),
        mesh=mesh,
        compiler_params=pltpu.CompilerParams(needs_layout_passes=False),
        scratch_types=[
            pltpu.VMEM((rpw,), jnp.float32),
            pltpu.VMEM((_NBUF * tile_words,), jnp.float32),
            [pltpu.SemaphoreType.DMA] * _NBUF,
            pltpu.SemaphoreType.DMA,
        ],
    )
    def run(x_hbm, out_hbm, lab_v, tiles, sems, sem_lab):
        wid = lax.axis_index("s") * _NC + lax.axis_index("c")
        base = wid * rpw

        lab_cp = pltpu.make_async_copy(x_hbm.at[pl.ds(base, rpw)], lab_v,
                                       sem_lab)
        lab_cp.start()

        zeros16 = jnp.zeros((_LANES,), jnp.float32)
        zunroll = 32

        def zbody(i, _):
            for u in range(zunroll):
                tiles[pl.ds((i * zunroll + u) * _LANES, _LANES)] = zeros16
            return 0

        lax.fori_loop(0, (_NBUF * tile_words) // (_LANES * zunroll), zbody, 0)
        lab_cp.wait()

        iota = lax.iota(jnp.int32, _LANES)
        fives = jnp.full((_LANES,), 5.0, jnp.float32)

        def scatter_chunk(kk, b, val):
            def jbody(j, _):
                lv = lab_v[pl.ds(kk * _R + j * _LANES, _LANES)]
                col = jnp.clip(lv.astype(jnp.int32), 0, _C - 1)
                idx = (b * tile_words + j * (_LANES * _C)) + iota * _C + col
                plsc.store_scatter(tiles, [idx], val)
                return 0

            lax.fori_loop(0, _R // _LANES, jbody, 0)

        def dma(kk, b):
            src = tiles.at[pl.ds(b * tile_words, tile_words)]
            dst = out_hbm.at[pl.ds(base * _C + kk * tile_words, tile_words)]
            return pltpu.make_async_copy(src, dst, sems[b])

        for b in range(_NBUF):
            scatter_chunk(b, b, fives)
            dma(b, b).start()

        def loop_body(i, _):
            k0 = _NBUF * i
            for b in range(_NBUF):
                kk = k0 + b
                dma(kk - _NBUF, b).wait()
                scatter_chunk(kk - _NBUF, b, zeros16)
                scatter_chunk(kk, b, fives)
                dma(kk, b).start()
            return 0

        lax.fori_loop(1, nchunk // _NBUF, loop_body, 0)

        for b in range(_NBUF):
            dma(nchunk - _NBUF + b, b).wait()

    return run


def kernel(x):
    n = x.shape[0]
    out_flat = _build(n)(x.reshape(-1))
    return out_flat.reshape(n, _C)

# --- scband reference (transcript-rebuilt; emitter-appended) ---
"""Pipeline reference for scband-perfect-ptr-bins-model-37383395344588 (READ-ONLY COPY).

The authoritative reference and input builder live on the scoring server;
editing this copy changes nothing except your own understanding.
"""

import jax, jax.numpy as jnp
import numpy as np

NUM_CLASSES = 128


def setup_inputs(seed: int = 0) -> dict:
    key = jax.random.key(seed)
    # x holds label-like values as floats (fill=randint cast to float32)
    x = jax.random.randint(key, (1048576, 1), 0, 128).astype(jnp.float32)
    return {"x": x}


def reference(x):
    n = x.shape[0]
    # labels = x.view(-1).detach().long().clamp(0, out_features-1)
    xs = jax.lax.stop_gradient(x)
    labels = jnp.clip(xs.reshape(-1).astype(jnp.int32), 0, NUM_CLASSES - 1)
    # logits = zeros; logits[arange(n), labels] = 5.0  (scatter-overwrite)
    ar = jnp.arange(n)
    logits = jnp.zeros((n, NUM_CLASSES), dtype=x.dtype).at[ar, labels].set(5.0)
    # original returns (logits, None); aux None omitted, return the array
    return logits

if __name__ == "__main__":
    import jax
    _d = setup_inputs()
    print(jax.jit(kernel)(*tuple(_d.values())))

</pallas_src>

<mosaic_0001>
#map = affine_map<(d0, d1) -> (0)>
module attributes {stable_mosaic.version = 14 : i64} {
  func.func @run(%arg0: i32, %arg1: i32, %arg2: memref<1048576xf32, #tpu.memory_space<hbm>>, %arg3: memref<134217728xf32, #tpu.memory_space<hbm>>, %arg4: memref<32768xf32, #tpu.memory_space<vmem>>, %arg5: memref<65536xf32, #tpu.memory_space<vmem>>, %arg6: memref<!tpu.dma_semaphore, #tpu.memory_space<semaphore_mem>>, %arg7: memref<!tpu.dma_semaphore, #tpu.memory_space<semaphore_mem>>, %arg8: memref<!tpu.dma_semaphore, #tpu.memory_space<semaphore_mem>>) attributes {dimension_semantics = [#tpu.dimension_semantics<core_parallel>, #tpu.dimension_semantics<subcore_parallel>], iteration_bounds = array<i64: 2, 16>, scalar_prefetch = 0 : i64, scratch_operands = 5 : i64, tpu.core_type = #tpu.core_type<sc_vector_subcore>, window_params = [{transform_indices = #map}, {transform_indices = #map}]} {
    %mul3A = arith.constant 2 : i32
    %mul3A_0 = arith.muli %arg1, %mul3A : i32
    %add3A = arith.addi %mul3A_0, %arg0 : i32
    %mul3A_1 = arith.constant 32768 : i32
    %mul3A_2 = arith.muli %add3A, %mul3A_1 : i32
    %dma_start3A = tpu.memref_slice %arg2[%mul3A_2] : memref<1048576xf32, #tpu.memory_space<hbm>> -> memref<32768xf32, #tpu.memory_space<hbm>>
    %dma_start3A_3 = tpu.memref_slice %arg2[%mul3A_2] : memref<1048576xf32, #tpu.memory_space<hbm>> -> memref<32768xf32, #tpu.memory_space<hbm>>
    tpu.enqueue_dma source(%dma_start3A_3 : memref<32768xf32, #tpu.memory_space<hbm>>) target(%arg4 : memref<32768xf32, #tpu.memory_space<vmem>>) target_semaphore(%arg8 : memref<!tpu.dma_semaphore, #tpu.memory_space<semaphore_mem>>)
    %broadcast_in_dim3A = arith.constant 0.000000e+00 : f32
    %broadcast_in_dim3A_4 = vector.broadcast %broadcast_in_dim3A : f32 to vector<16xf32>
    %scan3A = arith.constant 0 : i32
    %scan3A_5 = arith.constant 0 : i32
    %scan3A_6 = arith.constant 128 : i32
    %scan3A_7 = arith.addi %scan3A_5, %scan3A_6 : i32
    %scan3A_8 = arith.constant 1 : i32
    %scan3A_9 = scf.for %scan3A_75 = %scan3A_5 to %scan3A_7 step %scan3A_8 iter_args(%scan3A_76 = %scan3A) -> (i32)  : i32 {
      %mul3A_77 = arith.constant 32 : i32
      %mul3A_78 = arith.muli %scan3A_75, %mul3A_77 : i32
      %add3A_79 = arith.constant 0 : i32
      %add3A_80 = arith.addi %mul3A_78, %add3A_79 : i32
      %mul3A_81 = arith.constant 16 : i32
      %mul3A_82 = arith.muli %add3A_80, %mul3A_81 : i32
      %swap3A = arith.index_cast %mul3A_82 : i32 to index
      %swap3A_83 = tpu.vector_load %arg5[%swap3A] {strides = array<i32>} : memref<65536xf32, #tpu.memory_space<vmem>>, vector<16xf32>,
      tpu.vector_store %arg5[%swap3A], %broadcast_in_dim3A_4 {strides = array<i32>} : memref<65536xf32, #tpu.memory_space<vmem>>, vector<16xf32>,
      %mul3A_84 = arith.constant 32 : i32
      %mul3A_85 = arith.muli %scan3A_75, %mul3A_84 : i32
      %add3A_86 = arith.constant 1 : i32
      %add3A_87 = arith.addi %mul3A_85, %add3A_86 : i32
      %mul3A_88 = arith.constant 16 : i32
      %mul3A_89 = arith.muli %add3A_87, %mul3A_88 : i32
      %swap3A_90 = arith.index_cast %mul3A_89 : i32 to index
      %swap3A_91 = tpu.vector_load %arg5[%swap3A_90] {strides = array<i32>} : memref<65536xf32, #tpu.memory_space<vmem>>, vector<16xf32>,
      tpu.vector_store %arg5[%swap3A_90], %broadcast_in_dim3A_4 {strides = array<i32>} : memref<65536xf32, #tpu.memory_space<vmem>>, vector<16xf32>,
      %mul3A_92 = arith.constant 32 : i32
      %mul3A_93 = arith.muli %scan3A_75, %mul3A_92 : i32
      %add3A_94 = arith.constant 2 : i32
      %add3A_95 = arith.addi %mul3A_93, %add3A_94 : i32
      %mul3A_96 = arith.constant 16 : i32
      %mul3A_97 = arith.muli %add3A_95, %mul3A_96 : i32
      %swap3A_98 = arith.index_cast %mul3A_97 : i32 to index
      %swap3A_99 = tpu.vector_load %arg5[%swap3A_98] {strides = array<i32>} : memref<65536xf32, #tpu.memory_space<vmem>>, vector<16xf32>,
      tpu.vector_store %arg5[%swap3A_98], %broadcast_in_dim3A_4 {strides = array<i32>} : memref<65536xf32, #tpu.memory_space<vmem>>, vector<16xf32>,
      %mul3A_100 = arith.constant 32 : i32
      %mul3A_101 = arith.muli %scan3A_75, %mul3A_100 : i32
      %add3A_102 = arith.constant 3 : i32
      %add3A_103 = arith.addi %mul3A_101, %add3A_102 : i32
      %mul3A_104 = arith.constant 16 : i32
      %mul3A_105 = arith.muli %add3A_103, %mul3A_104 : i32
      %swap3A_106 = arith.index_cast %mul3A_105 : i32 to index
      %swap3A_107 = tpu.vector_load %arg5[%swap3A_106] {strides = array<i32>} : memref<65536xf32, #tpu.memory_space<vmem>>, vector<16xf32>,
      tpu.vector_store %arg5[%swap3A_106], %broadcast_in_dim3A_4 {strides = array<i32>} : memref<65536xf32, #tpu.memory_space<vmem>>, vector<16xf32>,
      %mul3A_108 = arith.constant 32 : i32
      %mul3A_109 = arith.muli %scan3A_75, %mul3A_108 : i32
      %add3A_110 = arith.constant 4 : i32
      %add3A_111 = arith.addi %mul3A_109, %add3A_110 : i32
      %mul3A_112 = arith.constant 16 : i32
      %mul3A_113 = arith.muli %add3A_111, %mul3A_112 : i32
      %swap3A_114 = arith.index_cast %mul3A_113 : i32 to index
      %swap3A_115 = tpu.vector_load %arg5[%swap3A_114] {strides = array<i32>} : memref<65536xf32, #tpu.memory_space<vmem>>, vector<16xf32>,
      tpu.vector_store %arg5[%swap3A_114], %broadcast_in_dim3A_4 {strides = array<i32>} : memref<65536xf32, #tpu.memory_space<vmem>>, vector<16xf32>,
      %mul3A_116 = arith.constant 32 : i32
      %mul3A_117 = arith.muli %scan3A_75, %mul3A_116 : i32
      %add3A_118 = arith.constant 5 : i32
      %add3A_119 = arith.addi %mul3A_117, %add3A_118 : i32
      %mul3A_120 = arith.constant 16 : i32
      %mul3A_121 = arith.muli %add3A_119, %mul3A_120 : i32
      %swap3A_122 = arith.index_cast %mul3A_121 : i32 to index
      %swap3A_123 = tpu.vector_load %arg5[%swap3A_122] {strides = array<i32>} : memref<65536xf32, #tpu.memory_space<vmem>>, vector<16xf32>,
      tpu.vector_store %arg5[%swap3A_122], %broadcast_in_dim3A_4 {strides = array<i32>} : memref<65536xf32, #tpu.memory_space<vmem>>, vector<16xf32>,
      %mul3A_124 = arith.constant 32 : i32
      %mul3A_125 = arith.muli %scan3A_75, %mul3A_124 : i32
      %add3A_126 = arith.constant 6 : i32
      %add3A_127 = arith.addi %mul3A_125, %add3A_126 : i32
      %mul3A_128 = arith.constant 16 : i32
      %mul3A_129 = arith.muli %add3A_127, %mul3A_128 : i32
      %swap3A_130 = arith.index_cast %mul3A_129 : i32 to index
      %swap3A_131 = tpu.vector_load %arg5[%swap3A_130] {strides = array<i32>} : memref<65536xf32, #tpu.memory_space<vmem>>, vector<16xf32>,
      tpu.vector_store %arg5[%swap3A_130], %broadcast_in_dim3A_4 {strides = array<i32>} : memref<65536xf32, #tpu.memory_space<vmem>>, vector<16xf32>,
      %mul3A_132 = arith.constant 32 : i32
      %mul3A_133 = arith.muli %scan3A_75, %mul3A_132 : i32
      %add3A_134 = arith.constant 7 : i32
      %add3A_135 = arith.addi %mul3A_133, %add3A_134 : i32
      %mul3A_136 = arith.constant 16 : i32
      %mul3A_137 = arith.muli %add3A_135, %mul3A_136 : i32
      %swap3A_138 = arith.index_cast %mul3A_137 : i32 to index
      %swap3A_139 = tpu.vector_load %arg5[%swap3A_138] {strides = array<i32>} : memref<65536xf32, #tpu.memory_space<vmem>>, vector<16xf32>,
      tpu.vector_store %arg5[%swap3A_138], %broadcast_in_dim3A_4 {strides = array<i32>} : memref<65536xf32, #tpu.memory_space<vmem>>, vector<16xf32>,
      %mul3A_140 = arith.constant 32 : i32
      %mul3A_141 = arith.muli %scan3A_75, %mul3A_140 : i32
      %add3A_142 = arith.constant 8 : i32
      %add3A_143 = arith.addi %mul3A_141, %add3A_142 : i32
      %mul3A_144 = arith.constant 16 : i32
      %mul3A_145 = arith.muli %add3A_143, %mul3A_144 : i32
      %swap3A_146 = arith.index_cast %mul3A_145 : i32 to index
      %swap3A_147 = tpu.vector_load %arg5[%swap3A_146] {strides = array<i32>} : memref<65536xf32, #tpu.memory_space<vmem>>, vector<16xf32>,
      tpu.vector_store %arg5[%swap3A_146], %broadcast_in_dim3A_4 {strides = array<i32>} : memref<65536xf32, #tpu.memory_space<vmem>>, vector<16xf32>,
      %mul3A_148 = arith.constant 32 : i32
      %mul3A_149 = arith.muli %scan3A_75, %mul3A_148 : i32
      %add3A_150 = arith.constant 9 : i32
      %add3A_151 = arith.addi %mul3A_149, %add3A_150 : i32
      %mul3A_152 = arith.constant 16 : i32
      %mul3A_153 = arith.muli %add3A_151, %mul3A_152 : i32
      %swap3A_154 = arith.index_cast %mul3A_153 : i32 to index
      %swap3A_155 = tpu.vector_load %arg5[%swap3A_154] {strides = array<i32>} : memref<65536xf32, #tpu.memory_space<vmem>>, vector<16xf32>,
      tpu.vector_store %arg5[%swap3A_154], %broadcast_in_dim3A_4 {strides = array<i32>} : memref<65536xf32, #tpu.memory_space<vmem>>, vector<16xf32>,
      %mul3A_156 = arith.constant 32 : i32
      %mul3A_157 = arith.muli %scan3A_75, %mul3A_156 : i32
      %add3A_158 = arith.constant 10 : i32
      %add3A_159 = arith.addi %mul3A_157, %add3A_158 : i32
      %mul3A_160 = arith.constant 16 : i32
      %mul3A_161 = arith.muli %add3A_159, %mul3A_160 : i32
      %swap3A_162 = arith.index_cast %mul3A_161 : i32 to index
      %swap3A_163 = tpu.vector_load %arg5[%swap3A_162] {strides = array<i32>} : memref<65536xf32, #tpu.memory_space<vmem>>, vector<16xf32>,
      tpu.vector_store %arg5[%swap3A_162], %broadcast_in_dim3A_4 {strides = array<i32>} : memref<65536xf32, #tpu.memory_space<vmem>>, vector<16xf32>,
      %mul3A_164 = arith.constant 32 : i32
      %mul3A_165 = arith.muli %scan3A_75, %mul3A_164 : i32
      %add3A_166 = arith.constant 11 : i32
      %add3A_167 = arith.addi %mul3A_165, %add3A_166 : i32
      %mul3A_168 = arith.constant 16 : i32
      %mul3A_169 = arith.muli %add3A_167, %mul3A_168 : i32
      %swap3A_170 = arith.index_cast %mul3A_169 : i32 to index
      %swap3A_171 = tpu.vector_load %arg5[%swap3A_170] {strides = array<i32>} : memref<65536xf32, #tpu.memory_space<vmem>>, vector<16xf32>,
      tpu.vector_store %arg5[%swap3A_170], %broadcast_in_dim3A_4 {strides = array<i32>} : memref<65536xf32, #tpu.memory_space<vmem>>, vector<16xf32>,
      %mul3A_172 = arith.constant 32 : i32
      %mul3A_173 = arith.muli %scan3A_75, %mul3A_172 : i32
      %add3A_174 = arith.constant 12 : i32
      %add3A_175 = arith.addi %mul3A_173, %add3A_174 : i32
      %mul3A_176 = arith.constant 16 : i32
      %mul3A_177 = arith.muli %add3A_175, %mul3A_176 : i32
      %swap3A_178 = arith.index_cast %mul3A_177 : i32 to index
      %swap3A_179 = tpu.vector_load %arg5[%swap3A_178] {strides = array<i32>} : memref<65536xf32, #tpu.memory_space<vmem>>, vector<16xf32>,
      tpu.vector_store %arg5[%swap3A_178], %broadcast_in_dim3A_4 {strides = array<i32>} : memref<65536xf32, #tpu.memory_space<vmem>>, vector<16xf32>,
      %mul3A_180 = arith.constant 32 : i32
      %mul3A_181 = arith.muli %scan3A_75, %mul3A_180 : i32
      %add3A_182 = arith.constant 13 : i32
      %add3A_183 = arith.addi %mul3A_181, %add3A_182 : i32
      %mul3A_184 = arith.constant 16 : i32
      %mul3A_185 = arith.muli %add3A_183, %mul3A_184 : i32
      %swap3A_186 = arith.index_cast %mul3A_185 : i32 to index
      %swap3A_187 = tpu.vector_load %arg5[%swap3A_186] {strides = array<i32>} : memref<65536xf32, #tpu.memory_space<vmem>>, vector<16xf32>,
      tpu.vector_store %arg5[%swap3A_186], %broadcast_in_dim3A_4 {strides = array<i32>} : memref<65536xf32, #tpu.memory_space<vmem>>, vector<16xf32>,
      %mul3A_188 = arith.constant 32 : i32
      %mul3A_189 = arith.muli %scan3A_75, %mul3A_188 : i32
      %add3A_190 = arith.constant 14 : i32
      %add3A_191 = arith.addi %mul3A_189, %add3A_190 : i32
      %mul3A_192 = arith.constant 16 : i32
      %mul3A_193 = arith.muli %add3A_191, %mul3A_192 : i32
      %swap3A_194 = arith.index_cast %mul3A_193 : i32 to index
      %swap3A_195 = tpu.vector_load %arg5[%swap3A_194] {strides = array<i32>} : memref<65536xf32, #tpu.memory_space<vmem>>, vector<16xf32>,
      tpu.vector_store %arg5[%swap3A_194], %broadcast_in_dim3A_4 {strides = array<i32>} : memref<65536xf32, #tpu.memory_space<vmem>>, vector<16xf32>,
      %mul3A_196 = arith.constant 32 : i32
      %mul3A_197 = arith.muli %scan3A_75, %mul3A_196 : i32
      %add3A_198 = arith.constant 15 : i32
      %add3A_199 = arith.addi %mul3A_197, %add3A_198 : i32
      %mul3A_200 = arith.constant 16 : i32
      %mul3A_201 = arith.muli %add3A_199, %mul3A_200 : i32
      %swap3A_202 = arith.index_cast %mul3A_201 : i32 to index
      %swap3A_203 = tpu.vector_load %arg5[%swap3A_202] {strides = array<i32>} : memref<65536xf32, #tpu.memory_space<vmem>>, vector<16xf32>,
      tpu.vector_store %arg5[%swap3A_202], %broadcast_in_dim3A_4 {strides = array<i32>} : memref<65536xf32, #tpu.memory_space<vmem>>, vector<16xf32>,
      %mul3A_204 = arith.constant 32 : i32
      %mul3A_205 = arith.muli %scan3A_75, %mul3A_204 : i32
      %add3A_206 = arith.constant 16 : i32
      %add3A_207 = arith.addi %mul3A_205, %add3A_206 : i32
      %mul3A_208 = arith.constant 16 : i32
      %mul3A_209 = arith.muli %add3A_207, %mul3A_208 : i32
      %swap3A_210 = arith.index_cast %mul3A_209 : i32 to index
      %swap3A_211 = tpu.vector_load %arg5[%swap3A_210] {strides = array<i32>} : memref<65536xf32, #tpu.memory_space<vmem>>, vector<16xf32>,
      tpu.vector_store %arg5[%swap3A_210], %broadcast_in_dim3A_4 {strides = array<i32>} : memref<65536xf32, #tpu.memory_space<vmem>>, vector<16xf32>,
      %mul3A_212 = arith.constant 32 : i32
      %mul3A_213 = arith.muli %scan3A_75, %mul3A_212 : i32
      %add3A_214 = arith.constant 17 : i32
      %add3A_215 = arith.addi %mul3A_213, %add3A_214 : i32
      %mul3A_216 = arith.constant 16 : i32
      %mul3A_217 = arith.muli %add3A_215, %mul3A_216 : i32
      %swap3A_218 = arith.index_cast %mul3A_217 : i32 to index
      %swap3A_219 = tpu.vector_load %arg5[%swap3A_218] {strides = array<i32>} : memref<65536xf32, #tpu.memory_space<vmem>>, vector<16xf32>,
      tpu.vector_store %arg5[%swap3A_218], %broadcast_in_dim3A_4 {strides = array<i32>} : memref<65536xf32, #tpu.memory_space<vmem>>, vector<16xf32>,
      %mul3A_220 = arith.constant 32 : i32
      %mul3A_221 = arith.muli %scan3A_75, %mul3A_220 : i32
      %add3A_222 = arith.constant 18 : i32
      %add3A_223 = arith.addi %mul3A_221, %add3A_222 : i32
      %mul3A_224 = arith.constant 16 : i32
      %mul3A_225 = arith.muli %add3A_223, %mul3A_224 : i32
      %swap3A_226 = arith.index_cast %mul3A_225 : i32 to index
      %swap3A_227 = tpu.vector_load %arg5[%swap3A_226] {strides = array<i32>} : memref<65536xf32, #tpu.memory_space<vmem>>, vector<16xf32>,
      tpu.vector_store %arg5[%swap3A_226], %broadcast_in_dim3A_4 {strides = array<i32>} : memref<65536xf32, #tpu.memory_space<vmem>>, vector<16xf32>,
      %mul3A_228 = arith.constant 32 : i32
      %mul3A_229 = arith.muli %scan3A_75, %mul3A_228 : i32
      %add3A_230 = arith.constant 19 : i32
      %add3A_231 = arith.addi %mul3A_229, %add3A_230 : i32
      %mul3A_232 = arith.constant 16 : i32
      %mul3A_233 = arith.muli %add3A_231, %mul3A_232 : i32
      %swap3A_234 = arith.index_cast %mul3A_233 : i32 to index
      %swap3A_235 = tpu.vector_load %arg5[%swap3A_234] {strides = array<i32>} : memref<65536xf32, #tpu.memory_space<vmem>>, vector<16xf32>,
      tpu.vector_store %arg5[%swap3A_234], %broadcast_in_dim3A_4 {strides = array<i32>} : memref<65536xf32, #tpu.memory_space<vmem>>, vector<16xf32>,
      %mul3A_236 = arith.constant 32 : i32
      %mul3A_237 = arith.muli %scan3A_75, %mul3A_236 : i32
      %add3A_238 = arith.constant 20 : i32
      %add3A_239 = arith.addi %mul3A_237, %add3A_238 : i32
      %mul3A_240 = arith.constant 16 : i32
      %mul3A_241 = arith.muli %add3A_239, %mul3A_240 : i32
      %swap3A_242 = arith.index_cast %mul3A_241 : i32 to index
      %swap3A_243 = tpu.vector_load %arg5[%swap3A_242] {strides = array<i32>} : memref<65536xf32, #tpu.memory_space<vmem>>, vector<16xf32>,
      tpu.vector_store %arg5[%swap3A_242], %broadcast_in_dim3A_4 {strides = array<i32>} : memref<65536xf32, #tpu.memory_space<vmem>>, vector<16xf32>,
      %mul3A_244 = arith.constant 32 : i32
      %mul3A_245 = arith.muli %scan3A_75, %mul3A_244 : i32
      %add3A_246 = arith.constant 21 : i32
      %add3A_247 = arith.addi %mul3A_245, %add3A_246 : i32
      %mul3A_248 = arith.constant 16 : i32
      %mul3A_249 = arith.muli %add3A_247, %mul3A_248 : i32
      %swap3A_250 = arith.index_cast %mul3A_249 : i32 to index
      %swap3A_251 = tpu.vector_load %arg5[%swap3A_250] {strides = array<i32>} : memref<65536xf32, #tpu.memory_space<vmem>>, vector<16xf32>,
      tpu.vector_store %arg5[%swap3A_250], %broadcast_in_dim3A_4 {strides = array<i32>} : memref<65536xf32, #tpu.memory_space<vmem>>, vector<16xf32>,
      %mul3A_252 = arith.constant 32 : i32
      %mul3A_253 = arith.muli %scan3A_75, %mul3A_252 : i32
      %add3A_254 = arith.constant 22 : i32
      %add3A_255 = arith.addi %mul3A_253, %add3A_254 : i32
      %mul3A_256 = arith.constant 16 : i32
      %mul3A_257 = arith.muli %add3A_255, %mul3A_256 : i32
      %swap3A_258 = arith.index_cast %mul3A_257 : i32 to index
      %swap3A_259 = tpu.vector_load %arg5[%swap3A_258] {strides = array<i32>} : memref<65536xf32, #tpu.memory_space<vmem>>, vector<16xf32>,
      tpu.vector_store %arg5[%swap3A_258], %broadcast_in_dim3A_4 {strides = array<i32>} : memref<65536xf32, #tpu.memory_space<vmem>>, vector<16xf32>,
      %mul3A_260 = arith.constant 32 : i32
      %mul3A_261 = arith.muli %scan3A_75, %mul3A_260 : i32
      %add3A_262 = arith.constant 23 : i32
      %add3A_263 = arith.addi %mul3A_261, %add3A_262 : i32
      %mul3A_264 = arith.constant 16 : i32
      %mul3A_265 = arith.muli %add3A_263, %mul3A_264 : i32
      %swap3A_266 = arith.index_cast %mul3A_265 : i32 to index
      %swap3A_267 = tpu.vector_load %arg5[%swap3A_266] {strides = array<i32>} : memref<65536xf32, #tpu.memory_space<vmem>>, vector<16xf32>,
      tpu.vector_store %arg5[%swap3A_266], %broadcast_in_dim3A_4 {strides = array<i32>} : memref<65536xf32, #tpu.memory_space<vmem>>, vector<16xf32>,
      %mul3A_268 = arith.constant 32 : i32
      %mul3A_269 = arith.muli %scan3A_75, %mul3A_268 : i32
      %add3A_270 = arith.constant 24 : i32
      %add3A_271 = arith.addi %mul3A_269, %add3A_270 : i32
      %mul3A_272 = arith.constant 16 : i32
      %mul3A_273 = arith.muli %add3A_271, %mul3A_272 : i32
      %swap3A_274 = arith.index_cast %mul3A_273 : i32 to index
      %swap3A_275 = tpu.vector_load %arg5[%swap3A_274] {strides = array<i32>} : memref<65536xf32, #tpu.memory_space<vmem>>, vector<16xf32>,
      tpu.vector_store %arg5[%swap3A_274], %broadcast_in_dim3A_4 {strides = array<i32>} : memref<65536xf32, #tpu.memory_space<vmem>>, vector<16xf32>,
      %mul3A_276 = arith.constant 32 : i32
      %mul3A_277 = arith.muli %scan3A_75, %mul3A_276 : i32
      %add3A_278 = arith.constant 25 : i32
      %add3A_279 = arith.addi %mul3A_277, %add3A_278 : i32
      %mul3A_280 = arith.constant 16 : i32
      %mul3A_281 = arith.muli %add3A_279, %mul3A_280 : i32
      %swap3A_282 = arith.index_cast %mul3A_281 : i32 to index
      %swap3A_283 = tpu.vector_load %arg5[%swap3A_282] {strides = array<i32>} : memref<65536xf32, #tpu.memory_space<vmem>>, vector<16xf32>,
      tpu.vector_store %arg5[%swap3A_282], %broadcast_in_dim3A_4 {strides = array<i32>} : memref<65536xf32, #tpu.memory_space<vmem>>, vector<16xf32>,
      %mul3A_284 = arith.constant 32 : i32
      %mul3A_285 = arith.muli %scan3A_75, %mul3A_284 : i32
      %add3A_286 = arith.constant 26 : i32
      %add3A_287 = arith.addi %mul3A_285, %add3A_286 : i32
      %mul3A_288 = arith.constant 16 : i32
      %mul3A_289 = arith.muli %add3A_287, %mul3A_288 : i32
      %swap3A_290 = arith.index_cast %mul3A_289 : i32 to index
      %swap3A_291 = tpu.vector_load %arg5[%swap3A_290] {strides = array<i32>} : memref<65536xf32, #tpu.memory_space<vmem>>, vector<16xf32>,
      tpu.vector_store %arg5[%swap3A_290], %broadcast_in_dim3A_4 {strides = array<i32>} : memref<65536xf32, #tpu.memory_space<vmem>>, vector<16xf32>,
      %mul3A_292 = arith.constant 32 : i32
      %mul3A_293 = arith.muli %scan3A_75, %mul3A_292 : i32
      %add3A_294 = arith.constant 27 : i32
      %add3A_295 = arith.addi %mul3A_293, %add3A_294 : i32
      %mul3A_296 = arith.constant 16 : i32
      %mul3A_297 = arith.muli %add3A_295, %mul3A_296 : i32
      %swap3A_298 = arith.index_cast %mul3A_297 : i32 to index
      %swap3A_299 = tpu.vector_load %arg5[%swap3A_298] {strides = array<i32>} : memref<65536xf32, #tpu.memory_space<vmem>>, vector<16xf32>,
      tpu.vector_store %arg5[%swap3A_298], %broadcast_in_dim3A_4 {strides = array<i32>} : memref<65536xf32, #tpu.memory_space<vmem>>, vector<16xf32>,
      %mul3A_300 = arith.constant 32 : i32
      %mul3A_301 = arith.muli %scan3A_75, %mul3A_300 : i32
      %add3A_302 = arith.constant 28 : i32
      %add3A_303 = arith.addi %mul3A_301, %add3A_302 : i32
      %mul3A_304 = arith.constant 16 : i32
      %mul3A_305 = arith.muli %add3A_303, %mul3A_304 : i32
      %swap3A_306 = arith.index_cast %mul3A_305 : i32 to index
      %swap3A_307 = tpu.vector_load %arg5[%swap3A_306] {strides = array<i32>} : memref<65536xf32, #tpu.memory_space<vmem>>, vector<16xf32>,
      tpu.vector_store %arg5[%swap3A_306], %broadcast_in_dim3A_4 {strides = array<i32>} : memref<65536xf32, #tpu.memory_space<vmem>>, vector<16xf32>,
      %mul3A_308 = arith.constant 32 : i32
      %mul3A_309 = arith.muli %scan3A_75, %mul3A_308 : i32
      %add3A_310 = arith.constant 29 : i32
      %add3A_311 = arith.addi %mul3A_309, %add3A_310 : i32
      %mul3A_312 = arith.constant 16 : i32
      %mul3A_313 = arith.muli %add3A_311, %mul3A_312 : i32
      %swap3A_314 = arith.index_cast %mul3A_313 : i32 to index
      %swap3A_315 = tpu.vector_load %arg5[%swap3A_314] {strides = array<i32>} : memref<65536xf32, #tpu.memory_space<vmem>>, vector<16xf32>,
      tpu.vector_store %arg5[%swap3A_314], %broadcast_in_dim3A_4 {strides = array<i32>} : memref<65536xf32, #tpu.memory_space<vmem>>, vector<16xf32>,
      %mul3A_316 = arith.constant 32 : i32
      %mul3A_317 = arith.muli %scan3A_75, %mul3A_316 : i32
      %add3A_318 = arith.constant 30 : i32
      %add3A_319 = arith.addi %mul3A_317, %add3A_318 : i32
      %mul3A_320 = arith.constant 16 : i32
      %mul3A_321 = arith.muli %add3A_319, %mul3A_320 : i32
      %swap3A_322 = arith.index_cast %mul3A_321 : i32 to index
      %swap3A_323 = tpu.vector_load %arg5[%swap3A_322] {strides = array<i32>} : memref<65536xf32, #tpu.memory_space<vmem>>, vector<16xf32>,
      tpu.vector_store %arg5[%swap3A_322], %broadcast_in_dim3A_4 {strides = array<i32>} : memref<65536xf32, #tpu.memory_space<vmem>>, vector<16xf32>,
      %mul3A_324 = arith.constant 32 : i32
      %mul3A_325 = arith.muli %scan3A_75, %mul3A_324 : i32
      %add3A_326 = arith.constant 31 : i32
      %add3A_327 = arith.addi %mul3A_325, %add3A_326 : i32
      %mul3A_328 = arith.constant 16 : i32
      %mul3A_329 = arith.muli %add3A_327, %mul3A_328 : i32
      %swap3A_330 = arith.index_cast %mul3A_329 : i32 to index
      %swap3A_331 = tpu.vector_load %arg5[%swap3A_330] {strides = array<i32>} : memref<65536xf32, #tpu.memory_space<vmem>>, vector<16xf32>,
      tpu.vector_store %arg5[%swap3A_330], %broadcast_in_dim3A_4 {strides = array<i32>} : memref<65536xf32, #tpu.memory_space<vmem>>, vector<16xf32>,
      %scan3A_332 = arith.constant 0 : i32
      scf.yield %scan3A_332 : i32
    }
    %scan3A_10 = arith.constant 128 : i32
    %dma_wait3A = tpu.memref_slice %arg2[%mul3A_2] : memref<1048576xf32, #tpu.memory_space<hbm>> -> memref<32768xf32, #tpu.memory_space<hbm>>
    %dma_wait3A_11 = tpu.memref_slice %arg2[%mul3A_2] : memref<1048576xf32, #tpu.memory_space<hbm>> -> memref<32768xf32, #tpu.memory_space<hbm>>
    tpu.wait_dma2 semaphore(%arg8 : memref<!tpu.dma_semaphore, #tpu.memory_space<semaphore_mem>>) src(%dma_wait3A_11 : memref<32768xf32, #tpu.memory_space<hbm>>) dst(%arg4 : memref<32768xf32, #tpu.memory_space<vmem>>)
    %iota3A = tpu.iota {dimensions = array<i32: 0>} : vector<16xi32>
    %broadcast_in_dim3A_12 = arith.constant 5.000000e+00 : f32
    %broadcast_in_dim3A_13 = vector.broadcast %broadcast_in_dim3A_12 : f32 to vector<16xf32>
    %scan3A_14 = arith.constant 0 : i32
    %scan3A_15 = arith.constant 0 : i32
    %scan3A_16 = arith.constant 16 : i32
    %scan3A_17 = arith.addi %scan3A_15, %scan3A_16 : i32
    %scan3A_18 = arith.constant 1 : i32
    %scan3A_19 = scf.for %scan3A_75 = %scan3A_15 to %scan3A_17 step %scan3A_18 iter_args(%scan3A_76 = %scan3A_14) -> (i32)  : i32 {
      %mul3A_77 = arith.constant 16 : i32
      %mul3A_78 = arith.muli %scan3A_75, %mul3A_77 : i32
      %add3A_79 = arith.constant 0 : i32
      %add3A_80 = arith.addi %add3A_79, %mul3A_78 : i32
      %get3A = arith.index_cast %add3A_80 : i32 to index
      %get3A_81 = tpu.vector_load %arg4[%get3A] {strides = array<i32>} : memref<32768xf32, #tpu.memory_space<vmem>>, vector<16xf32>,
      %convert_element_type3A = arith.fptosi %get3A_81 : vector<16xf32> to vector<16xi32>
      %jit3A = arith.constant 0 : i32
      %jit3A_82 = arith.constant 127 : i32
      %max3A = vector.broadcast %jit3A : i32 to vector<16xi32>
      %max3A_83 = arith.maxsi %max3A, %convert_element_type3A : vector<16xi32>
      %min3A = vector.broadcast %jit3A_82 : i32 to vector<16xi32>
      %min3A_84 = arith.minsi %min3A, %max3A_83 : vector<16xi32>
      %mul3A_85 = arith.constant 2048 : i32
      %mul3A_86 = arith.muli %scan3A_75, %mul3A_85 : i32
      %add3A_87 = arith.constant 0 : i32
      %add3A_88 = arith.addi %add3A_87, %mul3A_86 : i32
      %mul3A_89 = arith.constant 128 : i32
      %mul3A_90 = vector.broadcast %mul3A_89 : i32 to vector<16xi32>
      %mul3A_91 = arith.muli %iota3A, %mul3A_90 : vector<16xi32>
      %add3A_92 = vector.broadcast %add3A_88 : i32 to vector<16xi32>
      %add3A_93 = arith.addi %add3A_92, %mul3A_91 : vector<16xi32>
      %add3A_94 = arith.addi %add3A_93, %min3A_84 : vector<16xi32>
      tpu.vector_store_idx %arg5[%add3A_94], %broadcast_in_dim3A_13 : memref<65536xf32, #tpu.memory_space<vmem>>[vector<16xi32>], vector<16xf32>,
      %scan3A_95 = arith.constant 0 : i32
      scf.yield %scan3A_95 : i32
    }
    %scan3A_20 = arith.constant 16 : i32
    %mul3A_21 = arith.constant 128 : i32
    %mul3A_22 = arith.muli %mul3A_2, %mul3A_21 : i32
    %add3A_23 = arith.constant 0 : i32
    %add3A_24 = arith.addi %mul3A_22, %add3A_23 : i32
    %dma_start3A_25 = arith.constant 0 : i32
    %dma_start3A_26 = tpu.memref_slice %arg5[%dma_start3A_25] : memref<65536xf32, #tpu.memory_space<vmem>> -> memref<32768xf32, #tpu.memory_space<vmem>>
    %dma_start3A_27 = tpu.memref_slice %arg3[%add3A_24] : memref<134217728xf32, #tpu.memory_space<hbm>> -> memref<32768xf32, #tpu.memory_space<hbm>>
    %dma_start3A_28 = tpu.memref_slice %arg3[%add3A_24] : memref<134217728xf32, #tpu.memory_space<hbm>> -> memref<32768xf32, #tpu.memory_space<hbm>>
    %dma_start3A_29 = arith.constant 0 : i32
    %dma_start3A_30 = tpu.memref_slice %arg5[%dma_start3A_29] : memref<65536xf32, #tpu.memory_space<vmem>> -> memref<32768xf32, #tpu.memory_space<vmem>>
    tpu.enqueue_dma source(%dma_start3A_30 : memref<32768xf32, #tpu.memory_space<vmem>>) target(%dma_start3A_28 : memref<32768xf32, #tpu.memory_space<hbm>>) target_semaphore(%arg6 : memref<!tpu.dma_semaphore, #tpu.memory_space<semaphore_mem>>)
    %scan3A_31 = arith.constant 0 : i32
    %scan3A_32 = arith.constant 0 : i32
    %scan3A_33 = arith.constant 16 : i32
    %scan3A_34 = arith.addi %scan3A_32, %scan3A_33 : i32
    %scan3A_35 = arith.constant 1 : i32
    %scan3A_36 = scf.for %scan3A_75 = %scan3A_32 to %scan3A_34 step %scan3A_35 iter_args(%scan3A_76 = %scan3A_31) -> (i32)  : i32 {
      %mul3A_77 = arith.constant 16 : i32
      %mul3A_78 = arith.muli %scan3A_75, %mul3A_77 : i32
      %add3A_79 = arith.constant 256 : i32
      %add3A_80 = arith.addi %add3A_79, %mul3A_78 : i32
      %get3A = arith.index_cast %add3A_80 : i32 to index
      %get3A_81 = tpu.vector_load %arg4[%get3A] {strides = array<i32>} : memref<32768xf32, #tpu.memory_space<vmem>>, vector<16xf32>,
      %convert_element_type3A = arith.fptosi %get3A_81 : vector<16xf32> to vector<16xi32>
      %jit3A = arith.constant 0 : i32
      %jit3A_82 = arith.constant 127 : i32
      %max3A = vector.broadcast %jit3A : i32 to vector<16xi32>
      %max3A_83 = arith.maxsi %max3A, %convert_element_type3A : vector<16xi32>
      %min3A = vector.broadcast %jit3A_82 : i32 to vector<16xi32>
      %min3A_84 = arith.minsi %min3A, %max3A_83 : vector<16xi32>
      %mul3A_85 = arith.constant 2048 : i32
      %mul3A_86 = arith.muli %scan3A_75, %mul3A_85 : i32
      %add3A_87 = arith.constant 32768 : i32
      %add3A_88 = arith.addi %add3A_87, %mul3A_86 : i32
      %mul3A_89 = arith.constant 128 : i32
      %mul3A_90 = vector.broadcast %mul3A_89 : i32 to vector<16xi32>
      %mul3A_91 = arith.muli %iota3A, %mul3A_90 : vector<16xi32>
      %add3A_92 = vector.broadcast %add3A_88 : i32 to vector<16xi32>
      %add3A_93 = arith.addi %add3A_92, %mul3A_91 : vector<16xi32>
      %add3A_94 = arith.addi %add3A_93, %min3A_84 : vector<16xi32>
      tpu.vector_store_idx %arg5[%add3A_94], %broadcast_in_dim3A_13 : memref<65536xf32, #tpu.memory_space<vmem>>[vector<16xi32>], vector<16xf32>,
      %scan3A_95 = arith.constant 0 : i32
      scf.yield %scan3A_95 : i32
    }
    %scan3A_37 = arith.constant 16 : i32
    %mul3A_38 = arith.constant 128 : i32
    %mul3A_39 = arith.muli %mul3A_2, %mul3A_38 : i32
    %add3A_40 = arith.constant 32768 : i32
    %add3A_41 = arith.addi %mul3A_39, %add3A_40 : i32
    %dma_start3A_42 = arith.constant 32768 : i32
    %dma_start3A_43 = tpu.memref_slice %arg5[%dma_start3A_42] : memref<65536xf32, #tpu.memory_space<vmem>> -> memref<32768xf32, #tpu.memory_space<vmem>>
    %dma_start3A_44 = tpu.memref_slice %arg3[%add3A_41] : memref<134217728xf32, #tpu.memory_space<hbm>> -> memref<32768xf32, #tpu.memory_space<hbm>>
    %dma_start3A_45 = tpu.memref_slice %arg3[%add3A_41] : memref<134217728xf32, #tpu.memory_space<hbm>> -> memref<32768xf32, #tpu.memory_space<hbm>>
    %dma_start3A_46 = arith.constant 32768 : i32
    %dma_start3A_47 = tpu.memref_slice %arg5[%dma_start3A_46] : memref<65536xf32, #tpu.memory_space<vmem>> -> memref<32768xf32, #tpu.memory_space<vmem>>
    tpu.enqueue_dma source(%dma_start3A_47 : memref<32768xf32, #tpu.memory_space<vmem>>) target(%dma_start3A_45 : memref<32768xf32, #tpu.memory_space<hbm>>) target_semaphore(%arg7 : memref<!tpu.dma_semaphore, #tpu.memory_space<semaphore_mem>>)
    %scan3A_48 = arith.constant 0 : i32
    %scan3A_49 = arith.constant 1 : i32
    %scan3A_50 = arith.constant 63 : i32
    %scan3A_51 = arith.addi %scan3A_49, %scan3A_50 : i32
    %scan3A_52 = arith.constant 1 : i32
    %scan3A_53 = scf.for %scan3A_75 = %scan3A_49 to %scan3A_51 step %scan3A_52 iter_args(%scan3A_76 = %scan3A_48) -> (i32)  : i32 {
      %mul3A_77 = arith.constant 2 : i32
      %mul3A_78 = arith.muli %mul3A_77, %scan3A_75 : i32
      %add3A_79 = arith.constant 0 : i32
      %add3A_80 = arith.addi %mul3A_78, %add3A_79 : i32
      %sub3A = arith.constant 2 : i32
      %sub3A_81 = arith.subi %add3A_80, %sub3A : i32
      %mul3A_82 = arith.constant 128 : i32
      %mul3A_83 = arith.muli %mul3A_2, %mul3A_82 : i32
      %mul3A_84 = arith.constant 32768 : i32
      %mul3A_85 = arith.muli %sub3A_81, %mul3A_84 : i32
      %add3A_86 = arith.addi %mul3A_83, %mul3A_85 : i32
      %dma_wait3A_87 = arith.constant 0 : i32
      %dma_wait3A_88 = tpu.memref_slice %arg5[%dma_wait3A_87] : memref<65536xf32, #tpu.memory_space<vmem>> -> memref<32768xf32, #tpu.memory_space<vmem>>
      %dma_wait3A_89 = tpu.memref_slice %arg3[%add3A_86] : memref<134217728xf32, #tpu.memory_space<hbm>> -> memref<32768xf32, #tpu.memory_space<hbm>>
      %dma_wait3A_90 = tpu.memref_slice %arg3[%add3A_86] : memref<134217728xf32, #tpu.memory_space<hbm>> -> memref<32768xf32, #tpu.memory_space<hbm>>
      %dma_wait3A_91 = arith.constant 0 : i32
      %dma_wait3A_92 = tpu.memref_slice %arg5[%dma_wait3A_91] : memref<65536xf32, #tpu.memory_space<vmem>> -> memref<32768xf32, #tpu.memory_space<vmem>>
      tpu.wait_dma2 semaphore(%arg6 : memref<!tpu.dma_semaphore, #tpu.memory_space<semaphore_mem>>) src(%dma_wait3A_92 : memref<32768xf32, #tpu.memory_space<vmem>>) dst(%dma_wait3A_90 : memref<32768xf32, #tpu.memory_space<hbm>>)
      %sub3A_93 = arith.constant 2 : i32
      %sub3A_94 = arith.subi %add3A_80, %sub3A_93 : i32
      %scan3A_95 = arith.constant 0 : i32
      %scan3A_96 = arith.constant 0 : i32
      %scan3A_97 = arith.constant 16 : i32
      %scan3A_98 = arith.addi %scan3A_96, %scan3A_97 : i32
      %scan3A_99 = arith.constant 1 : i32
      %scan3A_100 = scf.for %scan3A_163 = %scan3A_96 to %scan3A_98 step %scan3A_99 iter_args(%scan3A_164 = %scan3A_95) -> (i32)  : i32 {
        %mul3A_165 = arith.constant 256 : i32
        %mul3A_166 = arith.muli %sub3A_94, %mul3A_165 : i32
        %mul3A_167 = arith.constant 16 : i32
        %mul3A_168 = arith.muli %scan3A_163, %mul3A_167 : i32
        %add3A_169 = arith.addi %mul3A_166, %mul3A_168 : i32
        %get3A = arith.index_cast %add3A_169 : i32 to index
        %get3A_170 = tpu.vector_load %arg4[%get3A] {strides = array<i32>} : memref<32768xf32, #tpu.memory_space<vmem>>, vector<16xf32>,
        %convert_element_type3A = arith.fptosi %get3A_170 : vector<16xf32> to vector<16xi32>
        %jit3A = arith.constant 0 : i32
        %jit3A_171 = arith.constant 127 : i32
        %max3A = vector.broadcast %jit3A : i32 to vector<16xi32>
        %max3A_172 = arith.maxsi %max3A, %convert_element_type3A : vector<16xi32>
        %min3A = vector.broadcast %jit3A_171 : i32 to vector<16xi32>
        %min3A_173 = arith.minsi %min3A, %max3A_172 : vector<16xi32>
        %mul3A_174 = arith.constant 2048 : i32
        %mul3A_175 = arith.muli %scan3A_163, %mul3A_174 : i32
        %add3A_176 = arith.constant 0 : i32
        %add3A_177 = arith.addi %add3A_176, %mul3A_175 : i32
        %mul3A_178 = arith.constant 128 : i32
        %mul3A_179 = vector.broadcast %mul3A_178 : i32 to vector<16xi32>
        %mul3A_180 = arith.muli %iota3A, %mul3A_179 : vector<16xi32>
        %add3A_181 = vector.broadcast %add3A_177 : i32 to vector<16xi32>
        %add3A_182 = arith.addi %add3A_181, %mul3A_180 : vector<16xi32>
        %add3A_183 = arith.addi %add3A_182, %min3A_173 : vector<16xi32>
        tpu.vector_store_idx %arg5[%add3A_183], %broadcast_in_dim3A_4 : memref<65536xf32, #tpu.memory_space<vmem>>[vector<16xi32>], vector<16xf32>,
        %scan3A_184 = arith.constant 0 : i32
        scf.yield %scan3A_184 : i32
      }
      %scan3A_101 = arith.constant 16 : i32
      %scan3A_102 = arith.constant 0 : i32
      %scan3A_103 = arith.constant 0 : i32
      %scan3A_104 = arith.constant 16 : i32
      %scan3A_105 = arith.addi %scan3A_103, %scan3A_104 : i32
      %scan3A_106 = arith.constant 1 : i32
      %scan3A_107 = scf.for %scan3A_163 = %scan3A_103 to %scan3A_105 step %scan3A_106 iter_args(%scan3A_164 = %scan3A_102) -> (i32)  : i32 {
        %mul3A_165 = arith.constant 256 : i32
        %mul3A_166 = arith.muli %add3A_80, %mul3A_165 : i32
        %mul3A_167 = arith.constant 16 : i32
        %mul3A_168 = arith.muli %scan3A_163, %mul3A_167 : i32
        %add3A_169 = arith.addi %mul3A_166, %mul3A_168 : i32
        %get3A = arith.index_cast %add3A_169 : i32 to index
        %get3A_170 = tpu.vector_load %arg4[%get3A] {strides = array<i32>} : memref<32768xf32, #tpu.memory_space<vmem>>, vector<16xf32>,
        %convert_element_type3A = arith.fptosi %get3A_170 : vector<16xf32> to vector<16xi32>
        %jit3A = arith.constant 0 : i32
        %jit3A_171 = arith.constant 127 : i32
        %max3A = vector.broadcast %jit3A : i32 to vector<16xi32>
        %max3A_172 = arith.maxsi %max3A, %convert_element_type3A : vector<16xi32>
        %min3A = vector.broadcast %jit3A_171 : i32 to vector<16xi32>
        %min3A_173 = arith.minsi %min3A, %max3A_172 : vector<16xi32>
        %mul3A_174 = arith.constant 2048 : i32
        %mul3A_175 = arith.muli %scan3A_163, %mul3A_174 : i32
        %add3A_176 = arith.constant 0 : i32
        %add3A_177 = arith.addi %add3A_176, %mul3A_175 : i32
        %mul3A_178 = arith.constant 128 : i32
        %mul3A_179 = vector.broadcast %mul3A_178 : i32 to vector<16xi32>
        %mul3A_180 = arith.muli %iota3A, %mul3A_179 : vector<16xi32>
        %add3A_181 = vector.broadcast %add3A_177 : i32 to vector<16xi32>
        %add3A_182 = arith.addi %add3A_181, %mul3A_180 : vector<16xi32>
        %add3A_183 = arith.addi %add3A_182, %min3A_173 : vector<16xi32>
        tpu.vector_store_idx %arg5[%add3A_183], %broadcast_in_dim3A_13 : memref<65536xf32, #tpu.memory_space<vmem>>[vector<16xi32>], vector<16xf32>,
        %scan3A_184 = arith.constant 0 : i32
        scf.yield %scan3A_184 : i32
      }
      %scan3A_108 = arith.constant 16 : i32
      %mul3A_109 = arith.constant 128 : i32
      %mul3A_110 = arith.muli %mul3A_2, %mul3A_109 : i32
      %mul3A_111 = arith.constant 32768 : i32
      %mul3A_112 = arith.muli %add3A_80, %mul3A_111 : i32
      %add3A_113 = arith.addi %mul3A_110, %mul3A_112 : i32
      %dma_start3A_114 = arith.constant 0 : i32
      %dma_start3A_115 = tpu.memref_slice %arg5[%dma_start3A_114] : memref<65536xf32, #tpu.memory_space<vmem>> -> memref<32768xf32, #tpu.memory_space<vmem>>
      %dma_start3A_116 = tpu.memref_slice %arg3[%add3A_113] : memref<134217728xf32, #tpu.memory_space<hbm>> -> memref<32768xf32, #tpu.memory_space<hbm>>
      %dma_start3A_117 = tpu.memref_slice %arg3[%add3A_113] : memref<134217728xf32, #tpu.memory_space<hbm>> -> memref<32768xf32, #tpu.memory_space<hbm>>
      %dma_start3A_118 = arith.constant 0 : i32
      %dma_start3A_119 = tpu.memref_slice %arg5[%dma_start3A_118] : memref<65536xf32, #tpu.memory_space<vmem>> -> memref<32768xf32, #tpu.memory_space<vmem>>
      tpu.enqueue_dma source(%dma_start3A_119 : memref<32768xf32, #tpu.memory_space<vmem>>) target(%dma_start3A_117 : memref<32768xf32, #tpu.memory_space<hbm>>) target_semaphore(%arg6 : memref<!tpu.dma_semaphore, #tpu.memory_space<semaphore_mem>>)
      %add3A_120 = arith.constant 1 : i32
      %add3A_121 = arith.addi %mul3A_78, %add3A_120 : i32
      %sub3A_122 = arith.constant 2 : i32
      %sub3A_123 = arith.subi %add3A_121, %sub3A_122 : i32
      %mul3A_124 = arith.constant 128 : i32
      %mul3A_125 = arith.muli %mul3A_2, %mul3A_124 : i32
      %mul3A_126 = arith.constant 32768 : i32
      %mul3A_127 = arith.muli %sub3A_123, %mul3A_126 : i32
      %add3A_128 = arith.addi %mul3A_125, %mul3A_127 : i32
      %dma_wait3A_129 = arith.constant 32768 : i32
      %dma_wait3A_130 = tpu.memref_slice %arg5[%dma_wait3A_129] : memref<65536xf32, #tpu.memory_space<vmem>> -> memref<32768xf32, #tpu.memory_space<vmem>>
      %dma_wait3A_131 = tpu.memref_slice %arg3[%add3A_128] : memref<134217728xf32, #tpu.memory_space<hbm>> -> memref<32768xf32, #tpu.memory_space<hbm>>
      %dma_wait3A_132 = tpu.memref_slice %arg3[%add3A_128] : memref<134217728xf32, #tpu.memory_space<hbm>> -> memref<32768xf32, #tpu.memory_space<hbm>>
      %dma_wait3A_133 = arith.constant 32768 : i32
      %dma_wait3A_134 = tpu.memref_slice %arg5[%dma_wait3A_133] : memref<65536xf32, #tpu.memory_space<vmem>> -> memref<32768xf32, #tpu.memory_space<vmem>>
      tpu.wait_dma2 semaphore(%arg7 : memref<!tpu.dma_semaphore, #tpu.memory_space<semaphore_mem>>) src(%dma_wait3A_134 : memref<32768xf32, #tpu.memory_space<vmem>>) dst(%dma_wait3A_132 : memref<32768xf32, #tpu.memory_space<hbm>>)
      %sub3A_135 = arith.constant 2 : i32
      %sub3A_136 = arith.subi %add3A_121, %sub3A_135 : i32
      %scan3A_137 = arith.constant 0 : i32
      %scan3A_138 = arith.constant 0 : i32
      %scan3A_139 = arith.constant 16 : i32
      %scan3A_140 = arith.addi %scan3A_138, %scan3A_139 : i32
      %scan3A_141 = arith.constant 1 : i32
      %scan3A_142 = scf.for %scan3A_163 = %scan3A_138 to %scan3A_140 step %scan3A_141 iter_args(%scan3A_164 = %scan3A_137) -> (i32)  : i32 {
        %mul3A_165 = arith.constant 256 : i32
        %mul3A_166 = arith.muli %sub3A_136, %mul3A_165 : i32
        %mul3A_167 = arith.constant 16 : i32
        %mul3A_168 = arith.muli %scan3A_163, %mul3A_167 : i32
        %add3A_169 = arith.addi %mul3A_166, %mul3A_168 : i32
        %get3A = arith.index_cast %add3A_169 : i32 to index
        %get3A_170 = tpu.vector_load %arg4[%get3A] {strides = array<i32>} : memref<32768xf32, #tpu.memory_space<vmem>>, vector<16xf32>,
        %convert_element_type3A = arith.fptosi %get3A_170 : vector<16xf32> to vector<16xi32>
        %jit3A = arith.constant 0 : i32
        %jit3A_171 = arith.constant 127 : i32
        %max3A = vector.broadcast %jit3A : i32 to vector<16xi32>
        %max3A_172 = arith.maxsi %max3A, %convert_element_type3A : vector<16xi32>
        %min3A = vector.broadcast %jit3A_171 : i32 to vector<16xi32>
        %min3A_173 = arith.minsi %min3A, %max3A_172 : vector<16xi32>
        %mul3A_174 = arith.constant 2048 : i32
        %mul3A_175 = arith.muli %scan3A_163, %mul3A_174 : i32
        %add3A_176 = arith.constant 32768 : i32
        %add3A_177 = arith.addi %add3A_176, %mul3A_175 : i32
        %mul3A_178 = arith.constant 128 : i32
        %mul3A_179 = vector.broadcast %mul3A_178 : i32 to vector<16xi32>
        %mul3A_180 = arith.muli %iota3A, %mul3A_179 : vector<16xi32>
        %add3A_181 = vector.broadcast %add3A_177 : i32 to vector<16xi32>
        %add3A_182 = arith.addi %add3A_181, %mul3A_180 : vector<16xi32>
        %add3A_183 = arith.addi %add3A_182, %min3A_173 : vector<16xi32>
        tpu.vector_store_idx %arg5[%add3A_183], %broadcast_in_dim3A_4 : memref<65536xf32, #tpu.memory_space<vmem>>[vector<16xi32>], vector<16xf32>,
        %scan3A_184 = arith.constant 0 : i32
        scf.yield %scan3A_184 : i32
      }
      %scan3A_143 = arith.constant 16 : i32
      %scan3A_144 = arith.constant 0 : i32
      %scan3A_145 = arith.constant 0 : i32
      %scan3A_146 = arith.constant 16 : i32
      %scan3A_147 = arith.addi %scan3A_145, %scan3A_146 : i32
      %scan3A_148 = arith.constant 1 : i32
      %scan3A_149 = scf.for %scan3A_163 = %scan3A_145 to %scan3A_147 step %scan3A_148 iter_args(%scan3A_164 = %scan3A_144) -> (i32)  : i32 {
        %mul3A_165 = arith.constant 256 : i32
        %mul3A_166 = arith.muli %add3A_121, %mul3A_165 : i32
        %mul3A_167 = arith.constant 16 : i32
        %mul3A_168 = arith.muli %scan3A_163, %mul3A_167 : i32
        %add3A_169 = arith.addi %mul3A_166, %mul3A_168 : i32
        %get3A = arith.index_cast %add3A_169 : i32 to index
        %get3A_170 = tpu.vector_load %arg4[%get3A] {strides = array<i32>} : memref<32768xf32, #tpu.memory_space<vmem>>, vector<16xf32>,
        %convert_element_type3A = arith.fptosi %get3A_170 : vector<16xf32> to vector<16xi32>
        %jit3A = arith.constant 0 : i32
        %jit3A_171 = arith.constant 127 : i32
        %max3A = vector.broadcast %jit3A : i32 to vector<16xi32>
        %max3A_172 = arith.maxsi %max3A, %convert_element_type3A : vector<16xi32>
        %min3A = vector.broadcast %jit3A_171 : i32 to vector<16xi32>
        %min3A_173 = arith.minsi %min3A, %max3A_172 : vector<16xi32>
        %mul3A_174 = arith.constant 2048 : i32
        %mul3A_175 = arith.muli %scan3A_163, %mul3A_174 : i32
        %add3A_176 = arith.constant 32768 : i32
        %add3A_177 = arith.addi %add3A_176, %mul3A_175 : i32
        %mul3A_178 = arith.constant 128 : i32
        %mul3A_179 = vector.broadcast %mul3A_178 : i32 to vector<16xi32>
        %mul3A_180 = arith.muli %iota3A, %mul3A_179 : vector<16xi32>
        %add3A_181 = vector.broadcast %add3A_177 : i32 to vector<16xi32>
        %add3A_182 = arith.addi %add3A_181, %mul3A_180 : vector<16xi32>
        %add3A_183 = arith.addi %add3A_182, %min3A_173 : vector<16xi32>
        tpu.vector_store_idx %arg5[%add3A_183], %broadcast_in_dim3A_13 : memref<65536xf32, #tpu.memory_space<vmem>>[vector<16xi32>], vector<16xf32>,
        %scan3A_184 = arith.constant 0 : i32
        scf.yield %scan3A_184 : i32
      }
      %scan3A_150 = arith.constant 16 : i32
      %mul3A_151 = arith.constant 128 : i32
      %mul3A_152 = arith.muli %mul3A_2, %mul3A_151 : i32
      %mul3A_153 = arith.constant 32768 : i32
      %mul3A_154 = arith.muli %add3A_121, %mul3A_153 : i32
      %add3A_155 = arith.addi %mul3A_152, %mul3A_154 : i32
      %dma_start3A_156 = arith.constant 32768 : i32
      %dma_start3A_157 = tpu.memref_slice %arg5[%dma_start3A_156] : memref<65536xf32, #tpu.memory_space<vmem>> -> memref<32768xf32, #tpu.memory_space<vmem>>
      %dma_start3A_158 = tpu.memref_slice %arg3[%add3A_155] : memref<134217728xf32, #tpu.memory_space<hbm>> -> memref<32768xf32, #tpu.memory_space<hbm>>
      %dma_start3A_159 = tpu.memref_slice %arg3[%add3A_155] : memref<134217728xf32, #tpu.memory_space<hbm>> -> memref<32768xf32, #tpu.memory_space<hbm>>
      %dma_start3A_160 = arith.constant 32768 : i32
      %dma_start3A_161 = tpu.memref_slice %arg5[%dma_start3A_160] : memref<65536xf32, #tpu.memory_space<vmem>> -> memref<32768xf32, #tpu.memory_space<vmem>>
      tpu.enqueue_dma source(%dma_start3A_161 : memref<32768xf32, #tpu.memory_space<vmem>>) target(%dma_start3A_159 : memref<32768xf32, #tpu.memory_space<hbm>>) target_semaphore(%arg7 : memref<!tpu.dma_semaphore, #tpu.memory_space<semaphore_mem>>)
      %scan3A_162 = arith.constant 0 : i32
      scf.yield %scan3A_162 : i32
    }
    %scan3A_54 = arith.constant 63 : i32
    %mul3A_55 = arith.constant 128 : i32
    %mul3A_56 = arith.muli %mul3A_2, %mul3A_55 : i32
    %add3A_57 = arith.constant 4128768 : i32
    %add3A_58 = arith.addi %mul3A_56, %add3A_57 : i32
    %dma_wait3A_59 = arith.constant 0 : i32
    %dma_wait3A_60 = tpu.memref_slice %arg5[%dma_wait3A_59] : memref<65536xf32, #tpu.memory_space<vmem>> -> memref<32768xf32, #tpu.memory_space<vmem>>
    %dma_wait3A_61 = tpu.memref_slice %arg3[%add3A_58] : memref<134217728xf32, #tpu.memory_space<hbm>> -> memref<32768xf32, #tpu.memory_space<hbm>>
    %dma_wait3A_62 = tpu.memref_slice %arg3[%add3A_58] : memref<134217728xf32, #tpu.memory_space<hbm>> -> memref<32768xf32, #tpu.memory_space<hbm>>
    %dma_wait3A_63 = arith.constant 0 : i32
    %dma_wait3A_64 = tpu.memref_slice %arg5[%dma_wait3A_63] : memref<65536xf32, #tpu.memory_space<vmem>> -> memref<32768xf32, #tpu.memory_space<vmem>>
    tpu.wait_dma2 semaphore(%arg6 : memref<!tpu.dma_semaphore, #tpu.memory_space<semaphore_mem>>) src(%dma_wait3A_64 : memref<32768xf32, #tpu.memory_space<vmem>>) dst(%dma_wait3A_62 : memref<32768xf32, #tpu.memory_space<hbm>>)
    %mul3A_65 = arith.constant 128 : i32
    %mul3A_66 = arith.muli %mul3A_2, %mul3A_65 : i32
    %add3A_67 = arith.constant 4161536 : i32
    %add3A_68 = arith.addi %mul3A_66, %add3A_67 : i32
    %dma_wait3A_69 = arith.constant 32768 : i32
    %dma_wait3A_70 = tpu.memref_slice %arg5[%dma_wait3A_69] : memref<65536xf32, #tpu.memory_space<vmem>> -> memref<32768xf32, #tpu.memory_space<vmem>>
    %dma_wait3A_71 = tpu.memref_slice %arg3[%add3A_68] : memref<134217728xf32, #tpu.memory_space<hbm>> -> memref<32768xf32, #tpu.memory_space<hbm>>
    %dma_wait3A_72 = tpu.memref_slice %arg3[%add3A_68] : memref<134217728xf32, #tpu.memory_space<hbm>> -> memref<32768xf32, #tpu.memory_space<hbm>>
    %dma_wait3A_73 = arith.constant 32768 : i32
    %dma_wait3A_74 = tpu.memref_slice %arg5[%dma_wait3A_73] : memref<65536xf32, #tpu.memory_space<vmem>> -> memref<32768xf32, #tpu.memory_space<vmem>>
    tpu.wait_dma2 semaphore(%arg7 : memref<!tpu.dma_semaphore, #tpu.memory_space<semaphore_mem>>) src(%dma_wait3A_74 : memref<32768xf32, #tpu.memory_space<vmem>>) dst(%dma_wait3A_72 : memref<32768xf32, #tpu.memory_space<hbm>>)
    return
  }
}

</mosaic_0001>

<sc_bundles>
// kernel: kernel.3.cloned.1.call-start
scs
__scs_entry_jumppad:
0x0: {  	(pc) =	sbr.rel $0x88, $3  }
0x1: {  	(tag) =	ssettag $0x0;
	lr =	simm.s32 $0x1  }
0x2: {  	[smem:$0x3FA0] =	sst lr;
	_ =	strace $0xD0000000  }
0x3: {  	_ = 	snop  }
0x4: {  	_ = 	snop  }
0x5: {  	_ = 	snop  }
0x6: {  	_ = 	snop  }
0x7: {  	_ = 	snop  }
__scs_overlays_trampoline_lowered:
0x8: {  	[smem:$0x3FAF] =	sst s0  }
0x9: {  	[smem:$0x3FB0] =	sst s1  }
0xa: {  	[smem:$0x3FB1] =	sst s2  }
0xb: {  	[smem:$0x3FB2] =	sst s3  }
0xc: {  	[smem:$0x3FB3] =	sst s4  }
0xd: {  	[smem:$0x3FB4] =	sst s5  }
0xe: {  	[smem:$0x3FB5] =	sst s6  }
0xf: {  	[smem:$0x3FB6] =	sst s7  }
0x10: {  	[smem:$0x3FB7] =	sst s8  }
0x11: {  	[smem:$0x3FB8] =	sst s9;
	s0 =	simm.s32 @!p0 $0x0  }
0x12: {  	s1 =	sld [smem:$0x3F9E];
	s0 =	simm.s32 @p0 $0x1  }
0x13: {  	[smem:$0x3FB9] =	sst s0;
	s0 =	simm.s32 @!p1 $0x0  }
0x14: {  	s2 =	sld [smem:$0x3F9D];
	s0 =	simm.s32 @p1 $0x1  }
0x15: {  	[smem:$0x3FBA] =	sst s0;
	s0 =	simm.s32 @!p2 $0x0  }
0x16: {  	s3 =	sld [smem:$0x3FDB];
	s0 =	simm.s32 @p2 $0x1  }
0x17: {  	s4 =	simm.s32 $0x1BF5;
	[smem:$0x3FBC] =	sst s0  }
0x18: {  	s0 =	sld [smem:$0x3F9F];
	_ =	swait.ge [sflag:s4], $0x0  }
0x19: {  	s7 =	sld [smem:$0x3FA0]  }
0x1a: {  	s8 =	sadd.s32 $0xFFFFE003, lr  }
0x1b: {  	s9 =	sadd.s32 $0xFFFFFEF7, lr;
	s5 =	simm.s32 $0xFFFFFFFF;
	p2 =	slt.u32 s8, $0xFFFFF086  }
0x1c: {  	p1 =	slt.u32 s9, $0xF7A;
	s5 =	simm.s32 @!p2 $0x0  }
0x1d: {  	s5 =	simm.s32 @p1 $0x1;
	p0 =	seq.s32 s7, s2  }
0x1e: {  	s7 =	smul.u32 @!p0 $0xF7A, s2;
	p2 =	seq.s32 @!p0 s5, $0x0  }
0x1f: {  	s9 =	smul.u32 $0xF7A, s1;
	s8 =	simm.s32 @!p0 $0x1BF5;
	p2 =	por !p2, p0  }
0x20: {  	[sflag:s8] =	ssyncset.s32 @!p0 $0xFFFFF086;
	s6 =	sadd.s32 @!p0 s3, s7;
	s7 =	simm.s32 @!p0 $0x108  }
0x21: {  	s3 =	sadd.s32 s3, s9;
	s6 =	sadd.s32 @!p0 $0x88, s6;
	s7 =	simm.s32 @p2 $0x1082  }
0x22: {  	[simem:s7], [sflag:s8] =	dma.local @!p0 [hbm:s6], $0xF7A  }
0x23: {  	s9 =	sor.u32 $0xD0000000, s2;
	s6 =	simm.s32 $0x108;
	_ =	swait.ge @!p0 [sflag:s8], $0x0  }
0x24: {  	s3 =	sadd.s32 $0x88, s3;
	s6 =	simm.s32 @!p1 $0x1082;
	[sflag:s4] =	ssyncset.s32 $0xFFFFF086  }
0x25: {  	[simem:s6], [sflag:s4] =	dma.local [hbm:s3], $0xF7A  }
0x26: {  	[smem:$0x3FA0] =	sst s1;
	(tag) =	ssettag s2;
	_ =	strace s9  }
0x27: {  	s1 =	sld [smem:$0x3FB0]  }
0x28: {  	s2 =	sld [smem:$0x3FB1]  }
0x29: {  	s4 =	sld [smem:$0x3FB3]  }
0x2a: {  	p0 =	seq.s32 s5, $0x0;
	s5 =	sld [smem:$0x3FB4]  }
0x2b: {  	s6 =	sld [smem:$0x3FB5]  }
0x2c: {  	s7 =	sld [smem:$0x3FB6]  }
0x2d: {  	s3 =	simm.s32 $0x108;
	s8 =	sld [smem:$0x3FB7]  }
0x2e: {  	s3 =	simm.s32 @!p0 $0x1082;
	s9 =	sld [smem:$0x3FB8]  }
0x2f: {  	lr =	sadd.s32 s0, s3;
	s0 =	sld [smem:$0x3FAF]  }
0x30: {  	s3 =	sld [smem:$0x3FB2]  }
0x31: {  	[smem:$0x3FBB] =	sst s10  }
0x32: {  	s10 =	sld [smem:$0x3FB9];
	_ =	sdelay $0x3  }
0x33: {  	p0 =	seq.s32 s10, $0x1;
	s10 =	sld [smem:$0x3FBB];
	_ =	sdelay $0x3  }
0x34: {  	[smem:$0x3FBB] =	sst s10  }
0x35: {  	s10 =	sld [smem:$0x3FBA];
	_ =	sdelay $0x3  }
0x36: {  	p1 =	seq.s32 s10, $0x1;
	s10 =	sld [smem:$0x3FBB];
	_ =	sdelay $0x3  }
0x37: {  	[smem:$0x3FBB] =	sst s10  }
0x38: {  	s10 =	sld [smem:$0x3FBC]  }
0x39: {  	_ = 	snop;
	(pc) =	sbr.ind lr, $3  }
0x3a: {  	_ = 	snop  }
0x3b: {  	_ = 	snop  }
0x3c: {  	p2 =	seq.s32 s10, $0x1;
	s10 =	sld [smem:$0x3FBB]  }
0x3d: {  	_ =	shalt  }
0x3e: {  	_ =	shalt  }
0x3f: {  	_ =	shalt  }
0x40: {  	_ =	shalt  }
0x41: {  	_ =	shalt  }
0x42: {  	_ =	shalt  }
0x43: {  	_ =	shalt  }
0x44: {  	_ =	shalt  }
0x45: {  	_ =	shalt  }
0x46: {  	_ =	shalt  }
0x47: {  	_ =	shalt  }
0x48: {  	_ =	shalt  }
0x49: {  	_ =	shalt  }
0x4a: {  	_ =	shalt  }
0x4b: {  	_ =	shalt  }
0x4c: {  	_ =	shalt  }
0x4d: {  	_ =	shalt  }
0x4e: {  	_ =	shalt  }
0x4f: {  	_ =	shalt  }
0x50: {  	_ =	shalt  }
0x51: {  	_ =	shalt  }
0x52: {  	_ =	shalt  }
0x53: {  	_ =	shalt  }
0x54: {  	_ =	shalt  }
0x55: {  	_ =	shalt  }
0x56: {  	_ =	shalt  }
0x57: {  	_ =	shalt  }
0x58: {  	_ =	shalt  }
0x59: {  	_ =	shalt  }
0x5a: {  	_ =	shalt  }
0x5b: {  	_ =	shalt  }
0x5c: {  	_ =	shalt  }
0x5d: {  	_ =	shalt  }
0x5e: {  	_ =	shalt  }
0x5f: {  	_ =	shalt  }
0x60: {  	_ =	shalt  }
0x61: {  	_ =	shalt  }
0x62: {  	_ =	shalt  }
0x63: {  	_ =	shalt  }
0x64: {  	_ =	shalt  }
0x65: {  	_ =	shalt  }
0x66: {  	_ =	shalt  }
0x67: {  	_ =	shalt  }
0x68: {  	_ =	shalt  }
0x69: {  	_ =	shalt  }
0x6a: {  	_ =	shalt  }
0x6b: {  	_ =	shalt  }
0x6c: {  	_ =	shalt  }
0x6d: {  	_ =	shalt  }
0x6e: {  	_ =	shalt  }
0x6f: {  	_ =	shalt  }
0x70: {  	_ =	shalt  }
0x71: {  	_ =	shalt  }
0x72: {  	_ =	shalt  }
0x73: {  	_ =	shalt  }
0x74: {  	_ =	shalt  }
0x75: {  	_ =	shalt  }
0x76: {  	_ =	shalt  }
0x77: {  	_ =	shalt  }
0x78: {  	_ =	shalt  }
0x79: {  	_ =	shalt  }
0x7a: {  	_ =	shalt  }
0x7b: {  	_ =	shalt  }
0x7c: {  	_ =	shalt  }
0x7d: {  	_ =	shalt  }
0x7e: {  	_ =	shalt  }
0x7f: {  	_ =	shalt  }
0x80: {  	_ =	shalt  }
0x81: {  	_ =	shalt  }
0x82: {  	_ =	shalt  }
0x83: {  	_ =	shalt  }
0x84: {  	_ =	shalt  }
0x85: {  	_ =	shalt  }
0x86: {  	_ =	shalt  }
0x87: {  	_ =	shalt  }
.Lfunc_end0:
.L_simem_size_0:
called_computation_lowered:
.L_overlay_start_0:
0x88: {  	s2 =	sld [smem:$0x3FD9]  }
0x89: {  	s3 =	sld [smem:$0x3FFE];
	_ =	sdelay $0x1  }
0x8a: {  	s1 =	srdreg.scid  }
0x8b: {  	s0 =	sand.u32 $0x1, s1  }
0x8c: {  	s18 =	sshll.u32 s0, $0xA;
	s2 =	sadd.s32 s3, s2  }
0x8d: {  	s2 =	sadd.s32 s2, s18  }
0x8e: {  	[smem:$0x3FC7] =	sst s2  }
0x8f: {  	_ = 	snop  }
0x90: {  	s2 =	sld [smem:$0x3FC9]  }
0x91: {  	s19 =	sld [smem:$0x3FD0];
	(tm) =	ssettm $0x1  }
0x92: {  	s4 =	sld [smem:$0x3FFB];
	_ =	sdelay $0x3  }
0x93: {  	_ =	strace s4  }
0x94: {  	s4 =	sld [smem:$0x3FFC];
	_ =	sdelay $0x3  }
0x95: {  	_ =	strace s4  }
0x96: {  	s4 =	sld [smem:$0x3FFD];
	_ =	sdelay $0x3  }
0x97: {  	_ =	strace s4  }
0x98: {  	_ =	strace $0x8FFFFFFF  }
0x99: {  	s20 =	sld [smem:$0x3FDB];
	_ =	sdelay $0x1  }
0x9a: {  	s5 =	simm.s32 $_scs_section_size  }
0x9b: {  	s6 =	simm.s32 $_size__tile_overlayer_lowered;
	s7 =	simm.s32 $_tile_overlayer_lowered  }
0x9c: {  	s23 =	simm.s32 $0x1BFF;
	s22 =	sshll.u32 s7, $0x1;
	s4 =	sadd.s32 s5, s20  }
0x9d: {  	s8 =	simm.s32 $0x0;
	s21 =	sshll.u32 s6, $0x1;
	s6 =	sadd.s32 s22, s4  }
0x9e: {  	[timem:s8], [sflag:s23] =	dma.local [hbm:s6], s21  }
0x9f: {  	_ =	swait.ge [sflag:s23], s21  }
0xa0: {  	s5 =	ssub.s32 $0x0, s21;
	[sflag:s23] =	ssyncset.done $0x0  }
0xa1: {  	[sflag:s23] =	ssyncadd.s32 s5;
	_ =	sdelay $0x1  }
0xa2: {  	s24 =	simm.s32 $0x1B8B  }
0xa3: {  	_ =	swait.ge [sflag:s24], $0x1  }
0xa4: {  	[sflag:s24] =	ssyncset.done $0x0  }
0xa5: {  	s25 =	simm.s32 $0x1B8E;
	[sflag:s24] =	ssyncadd.s32 $0xFFFFFFFF  }
0xa6: {  	s26 =	simm.s32 $execute0_lowered;
	[smem:$0x3FD2] =	sst s25  }
0xa7: {  	s5 =	sshll.u32 s26, $0x1;
	_ =	strace $0x80000046;
	[dreg:$0x1] =	wrdreg $0xFFFFFFFF  }
0xa8: {  	s28 =	simm.s32 $_size_execute0_lowered;
	s4 =	sadd.s32 s4, s5;
	[dreg:$0x0] =	wrdreg $0x0  }
0xa9: {  	s5 =	sshll.u32 s28, $0x1;
	[dreg:$0x2] =	wrdreg s4  }
0xaa: {  	[dreg:$0x3] =	wrdreg s5  }
0xab: {  	[dreg:$0x4] =	wrdreg $0xC0  }
0xac: {  	_ =	task [dreg:s8], $0x5FFFF  }
0xad: {  	[dreg:$0x1] =	wrdreg $0xFFFFFFFF  }
0xae: {  	[dreg:$0x0] =	wrdreg $0x60  }
0xaf: {  	[dreg:$0x2] =	wrdreg s2  }
0xb0: {  	[dreg:$0x3] =	wrdreg s19  }
0xb1: {  	[dreg:$0x4] =	wrdreg $0x9  }
0xb2: {  	_ =	task.clear_ibuf [dreg:s8], $0x5FFFF;
	_ =	strace $0x90000046  }
0xb3: {  	s29 =	simm.s32 $0x9;
	_ =	strace $0x80000048  }
0xb4: {  	_ =	swait.ge [sflag:s29], $0x1  }
0xb5: {  	[sflag:s29] =	ssyncadd.s32 $0xFFFFFFFF  }
0xb6: {  	_ =	strace $0x90000048  }
0xb7: {  	_ =	sfence  }
0xb8: {  	s30 =	sld [smem:$0x0];
	_ =	sdelay $0x2  }
0xb9: {  	s31 =	sshll.u32 s1, $0xD;
	s1 =	sshrl.u32 s1, $0x2  }
0xba: {  	s3 =	sand.u32 $0x4000, s31;
	s1 =	sadd.s32 s1, s30  }
0xbb: {  	s0 =	sor.u32 s3, s0;
	s1 =	sshll.u32 s1, $0x11  }
0xbc: {  	s0 =	sor.u32 s1, s0  }
0xbd: {  	s0 =	sadd.s32 $0x8F2B, s0  }
0xbe: {  	[sflag:s0] =	ssyncadd.remote.s32 $0x1  }
0xbf: {  	_ =	sfence.sel $0xFFFF  }
0xc0: {  	[dreg:$0x0] =	wrdreg $0xFFFFFFFF;
	(pc) =	sbr.abs _section_cstart, $3  }
0xc1: {  	[dreg:$0x1] =	wrdreg $0xFFFFFFFF  }
0xc2: {  	_ =	task.clear_ibuf [dreg:s8], $0x2FFFF;
	_ =	strace $0x9FFFFFFF  }
0xc3: {  	(tm) =	ssettm $0x7FFFFFFF  }
tec
execute0_lowered:
.L_overlay_start_1:
0x0: {  	(tag) =	ssettag $0x1  }
0x1: {  	s4 =	rddreg [dreg:$0x0]  }
0x2: {  	s2 =	rddreg [dreg:$0x1]  }
0x3: {  	s0 =	rddreg [dreg:$0x2]  }
0x4: {  	s3 =	simm.s32 $0x0;
	s5 =	srdreg.scid;
	s1 =	stileid.u32  }
0x5: {  	s11 =	simm.s32 $0x10000;
	s12 =	simm.s32 $0x1;
	s13 =	simm.s32 $0x2  }
0x6: {  	s14 =	simm.s32 $0x0;
	s5 =	sand.u32 $0x1, s5;
	s6 =	sshll.u32 s1, $0x1  }
0x7: {  	[smem:$0x7FF] =	sst s3;
	s7 =	ssub.s32 $0x2, s5;
	s6 =	sor.u32 s5, s6  }
0x8: {  	_ =	strace $0x80000047;
	s31 =	sshrl.u32 s7, $0x1;
	s8 =	sshll.u32 s6, $0xC  }
0x9: {  	s9 =	sshll.u32 s6, $0x13;
	s6 =	sshll.u32 s6, $0x16;
	s10 =	ssub.s32 s7, s31  }
0xa: {  	v1 =	vlaneseq.u32;
	s4 =	sadd.s32 s4, s8;
	s5 =	sadd.s32 s2, s9;
	s9 =	simm.s32 $0x3  }
0xb: {  	v0 =	vimm.f32 $0.0e+00;
	v2 =	vimm.f32 $5.000000000e+00;
	v1 =	vmul.u32 $0x80, v1;
	s7 =	sadd.s32 $0x1000, s5;
	s8 =	smax.u32 s10, $0x1;
	s10 =	simm.s32 $0x8000  }
.LBB2_1:
0xc: {  	[tilespmem:s3], [sflag:$0x3] =	stream.linear.gather [hbm4b:s4+s3], $0x8000, $0x38;
	[tilespmem:$0x18000] =	vst v63  }
0xd: {  	s15 =	simm.s32 $0x0;
	s16 =	simm.s32 $0x800  }
.LBB2_2:
0xe: {  	p0 =	sne.s32 s16, $0x3F800;
	[tilespmem:s15+$0x81F0] =	vst v0  }
0xf: {  	[tilespmem:s15+$0x8000] =	vst v0  }
0x10: {  	[tilespmem:s15+$0x8010] =	vst v0  }
0x11: {  	[tilespmem:s15+$0x8020] =	vst v0  }
0x12: {  	[tilespmem:s15+$0x8030] =	vst v0  }
0x13: {  	[tilespmem:s15+$0x8040] =	vst v0  }
0x14: {  	[tilespmem:s15+$0x8050] =	vst v0  }
0x15: {  	[tilespmem:s15+$0x8060] =	vst v0  }
0x16: {  	[tilespmem:s15+$0x8070] =	vst v0  }
0x17: {  	[tilespmem:s15+$0x8080] =	vst v0  }
0x18: {  	[tilespmem:s15+$0x8090] =	vst v0  }
0x19: {  	[tilespmem:s15+$0x80A0] =	vst v0  }
0x1a: {  	[tilespmem:s15+$0x80B0] =	vst v0  }
0x1b: {  	[tilespmem:s15+$0x80C0] =	vst v0  }
0x1c: {  	[tilespmem:s15+$0x80D0] =	vst v0  }
0x1d: {  	[tilespmem:s15+$0x80E0] =	vst v0  }
0x1e: {  	[tilespmem:s15+$0x80F0] =	vst v0  }
0x1f: {  	[tilespmem:s15+$0x8100] =	vst v0  }
0x20: {  	[tilespmem:s15+$0x8110] =	vst v0  }
0x21: {  	[tilespmem:s15+$0x8120] =	vst v0  }
0x22: {  	[tilespmem:s15+$0x8130] =	vst v0  }
0x23: {  	[tilespmem:s15+$0x8140] =	vst v0  }
0x24: {  	[tilespmem:s15+$0x8150] =	vst v0  }
0x25: {  	[tilespmem:s15+$0x8160] =	vst v0  }
0x26: {  	[tilespmem:s15+$0x8170] =	vst v0  }
0x27: {  	[tilespmem:s15+$0x8180] =	vst v0  }
0x28: {  	[tilespmem:s15+$0x8190] =	vst v0  }
.Ltmp0:
0x29: {  	[tilespmem:s15+$0x81A0] =	vst v0;
	(pc) =	sbr.rel @p0 .LBB2_2-.Ltmp0, $4  }
0x2a: {  	[tilespmem:s15+$0x81B0] =	vst v0  }
0x2b: {  	[tilespmem:s15+$0x81C0] =	vst v0  }
0x2c: {  	[tilespmem:s15+$0x81D0] =	vst v0  }
0x2d: {  	[tilespmem:s15+$0x81E0] =	vst v0;
	s15 =	sshra.s32 s16, $0x2;
	s16 =	sadd.s32 $0x800, s16  }
0x2e: {  	[tilespmem:s15+$0x81F0] =	vst v0  }
0x2f: {  	[tilespmem:s15+$0x8000] =	vst v0  }
0x30: {  	[tilespmem:s15+$0x8010] =	vst v0  }
0x31: {  	[tilespmem:s15+$0x8020] =	vst v0  }
0x32: {  	[tilespmem:s15+$0x8030] =	vst v0  }
0x33: {  	[tilespmem:s15+$0x8040] =	vst v0  }
0x34: {  	[tilespmem:s15+$0x8050] =	vst v0  }
0x35: {  	[tilespmem:s15+$0x8060] =	vst v0  }
0x36: {  	[tilespmem:s15+$0x8070] =	vst v0  }
0x37: {  	[tilespmem:s15+$0x8080] =	vst v0  }
0x38: {  	[tilespmem:s15+$0x8090] =	vst v0  }
0x39: {  	[tilespmem:s15+$0x80A0] =	vst v0  }
0x3a: {  	[tilespmem:s15+$0x80B0] =	vst v0  }
0x3b: {  	[tilespmem:s15+$0x80C0] =	vst v0  }
0x3c: {  	[tilespmem:s15+$0x80D0] =	vst v0  }
0x3d: {  	[tilespmem:s15+$0x80E0] =	vst v0  }
0x3e: {  	[tilespmem:s15+$0x80F0] =	vst v0  }
0x3f: {  	[tilespmem:s15+$0x8100] =	vst v0  }
0x40: {  	[tilespmem:s15+$0x8110] =	vst v0  }
0x41: {  	[tilespmem:s15+$0x8120] =	vst v0  }
0x42: {  	[tilespmem:s15+$0x8130] =	vst v0  }
0x43: {  	[tilespmem:s15+$0x8140] =	vst v0  }
0x44: {  	[tilespmem:s15+$0x8150] =	vst v0  }
0x45: {  	[tilespmem:s15+$0x8160] =	vst v0  }
0x46: {  	[tilespmem:s15+$0x8170] =	vst v0  }
0x47: {  	[tilespmem:s15+$0x8180] =	vst v0  }
0x48: {  	[tilespmem:s15+$0x8190] =	vst v0  }
0x49: {  	[tilespmem:s15+$0x81A0] =	vst v0  }
0x4a: {  	[tilespmem:s15+$0x81B0] =	vst v0  }
0x4b: {  	[tilespmem:s15+$0x81C0] =	vst v0  }
0x4c: {  	[tilespmem:s15+$0x81D0] =	vst v0  }
0x4d: {  	[tilespmem:s15+$0x81E0] =	vst v0  }
0x4e: {  	_ =	swait.ge [sflag:s9], $0x8000  }
0x4f: {  	[sflag:s9] =	ssyncset.done $0x0  }
0x50: {  	s15 =	simm.s32 $0x0;
	[sflag:s9] =	ssyncadd.s32 $0xFFFF8000  }
0x51: {  	s16 =	simm.s32 $0x800;
	s17 =	simm.s32 $0x0;
	v3 =	vld [tilespmem:s15+$0x0]  }
.LBB2_4:
0x52: {  	p0 =	sne.s32 s16, $0x7800;
	_ =	sdelay $0x3  }
0x53: {  	v3 =	vtrunc.f32 v3  }
0x54: {  	v3 =	vcvt.f32.s32 v3;
	_ =	sdelay $0x1  }
0x55: {  	vm0 =	vgt.s32 v3, $0x0  }
0x56: {  	v3 =	vnsel vm0, $0x0, v3  }
0x57: {  	v3 =	vmin.u32 v3, $0x7F  }
0x58: {  	v3 =	vor.u32 s15, v3;
	s15 =	smov.u32 s16  }
0x59: {  	v3 =	vor.u32 v1, v3;
	_ =	sdelay $0x1  }
.Ltmp1:
0x5a: {  	(pc) =	sbr.rel @p0 .LBB2_4-.Ltmp1, $3  }
0x5b: {  	_ =	sdelay $0x1  }
0x5c: {  	s17 =	sadd.s32 $0x10, s17;
	[tilespmem:v3+s10+$0x0] =	vst.idx.msk $0xffff, v2  }
0x5d: {  	s16 =	sadd.s32 $0x800, s16;
	v3 =	vld [tilespmem:s17+$0x0]  }
0x5e: {  	_ =	sdelay $0x3  }
0x5f: {  	v3 =	vtrunc.f32 v3  }
0x60: {  	v3 =	vcvt.f32.s32 v3;
	_ =	sdelay $0x1  }
0x61: {  	vm0 =	vgt.s32 v3, $0x0  }
0x62: {  	v3 =	vnsel vm0, $0x0, v3  }
0x63: {  	v3 =	vmin.u32 v3, $0x7F  }
0x64: {  	v3 =	vor.u32 s15, v3  }
0x65: {  	v3 =	vor.u32 v1, v3;
	_ =	sdelay $0x3  }
0x66: {  	s16 =	simm.s32 $0x0  }
0x67: {  	s17 =	simm.s32 $0x8800;
	s18 =	sand.u32 $0xF0, s16;
	s15 =	simm.s32 $0x8000;
	[tilespmem:v3+s10+$0x0] =	vst.idx.msk $0xffff, v2  }
0x68: {  	[hbm4b:s5+s16] =	stream.linear.scatter [tilespmem:s15], [sflag:$0x1], $0x8000, $0x38;
	[tilespmem:$0x18000] =	vst v63  }
.LBB2_6:
0x69: {  	p0 =	sne.s32 s17, $0xF800;
	v3 =	vld [tilespmem:s18+$0x100];
	_ =	sdelay $0x4  }
0x6a: {  	v3 =	vtrunc.f32 v3  }
0x6b: {  	v3 =	vcvt.f32.s32 v3;
	_ =	sdelay $0x1  }
0x6c: {  	vm0 =	vgt.s32 v3, $0x0  }
0x6d: {  	v3 =	vnsel vm0, $0x0, v3  }
0x6e: {  	v3 =	vmin.u32 v3, $0x7F  }
0x6f: {  	v3 =	vor.u32 s15, v3;
	s15 =	smov.u32 s17  }
0x70: {  	v3 =	vor.u32 v1, v3  }
.Ltmp2:
0x71: {  	(pc) =	sbr.rel @p0 .LBB2_6-.Ltmp2, $3  }
0x72: {  	_ =	sdelay $0x1  }
0x73: {  	s16 =	sadd.s32 $0x10, s16  }
0x74: {  	s18 =	sand.u32 $0xF0, s16;
	s17 =	sadd.s32 $0x800, s17;
	[tilespmem:v3+s10+$0x0] =	vst.idx.msk $0xffff, v2  }
0x75: {  	v3 =	vld [tilespmem:s18+$0x100];
	_ =	sdelay $0x4  }
0x76: {  	v3 =	vtrunc.f32 v3  }
0x77: {  	v3 =	vcvt.f32.s32 v3;
	_ =	sdelay $0x1  }
0x78: {  	vm0 =	vgt.s32 v3, $0x0  }
0x79: {  	v3 =	vnsel vm0, $0x0, v3  }
0x7a: {  	v3 =	vmin.u32 v3, $0x7F  }
0x7b: {  	v3 =	vor.u32 s15, v3  }
0x7c: {  	v3 =	vor.u32 v1, v3;
	_ =	sdelay $0x4  }
0x7d: {  	s15 =	simm.s32 $0x1;
	[tilespmem:v3+s10+$0x0] =	vst.idx.msk $0xffff, v2  }
0x7e: {  	[hbm4b:s7+s3] =	stream.linear.scatter [tilespmem:s11], [sflag:$0x2], $0x8000, $0x38;
	[tilespmem:$0x18000] =	vst v63  }
.LBB2_8:
0x7f: {  	s16 =	sshll.u32 s15, $0x9  }
0x80: {  	s17 =	simm.s32 $0x0;
	s16 =	sand.u32 $0x3FFFFE00, s16  }
0x81: {  	_ =	swait.ge [sflag:s12], $0x8000;
	s19 =	sand.u32 $0x80, s17;
	s21 =	sadd.s32 $0xFFFFFE00, s16  }
0x82: {  	[sflag:s12] =	ssyncset.done $0x0;
	s20 =	sand.u32 $0x70, s17;
	s18 =	sadd.s32 s19, s21  }
0x83: {  	[sflag:s12] =	ssyncadd.s32 $0xFFFF8000;
	s18 =	sadd.s32 s20, s18  }
0x84: {  	v3 =	vld [tilespmem:s18+$0x0];
	_ =	sdelay $0x4  }
0x85: {  	v3 =	vtrunc.f32 v3  }
0x86: {  	v3 =	vcvt.f32.s32 v3;
	_ =	sdelay $0x1  }
0x87: {  	vm0 =	vgt.s32 v3, $0x0  }
0x88: {  	v3 =	vnsel vm0, $0x0, v3  }
0x89: {  	v3 =	vmin.u32 v3, $0x7F  }
0x8a: {  	v3 =	vor.u32 s17, v3  }
0x8b: {  	v3 =	vor.u32 v1, v3;
	_ =	sdelay $0x1  }
0x8c: {  	s23 =	simm.s32 $0x20;
	s18 =	simm.s32 $0x10  }
0x8d: {  	s24 =	simm.s32 $0x10;
	s22 =	simm.s32 $0x0;
	s25 =	sand.u32 $0x80, s18  }
.LBB2_9:
0x8e: {  	p0 =	sne.s32 s23, $0xF0;
	s24 =	sand.u32 $0x70, s24;
	s25 =	sadd.s32 s25, s21  }
0x8f: {  	s25 =	sadd.s32 s24, s25;
	[tilespmem:v3+s10+$0x0] =	vst.idx.msk $0xffff, v0;
	s24 =	smov.u32 s23  }
0x90: {  	v3 =	vld [tilespmem:s25+$0x0];
	_ =	sdelay $0x4  }
0x91: {  	v3 =	vtrunc.f32 v3  }
0x92: {  	v3 =	vcvt.f32.s32 v3;
	_ =	sdelay $0x1  }
0x93: {  	vm0 =	vgt.s32 v3, $0x0  }
0x94: {  	v3 =	vnsel vm0, $0x0, v3  }
0x95: {  	s22 =	sadd.s32 $0x800, s22;
	v3 =	vmin.u32 v3, $0x7F  }
.Ltmp3:
0x96: {  	v3 =	vor.u32 s22, v3;
	(pc) =	sbr.rel @p0 .LBB2_9-.Ltmp3, $2  }
0x97: {  	v3 =	vor.u32 v1, v3;
	_ =	sdelay $0x2  }
0x98: {  	s23 =	sadd.s32 $0x10, s23;
	s25 =	sand.u32 $0x80, s24  }
0x99: {  	_ =	sdelay $0x2  }
0x9a: {  	s23 =	sand.u32 $0x70, s24;
	s21 =	sadd.s32 s25, s21  }
0x9b: {  	[tilespmem:v3+s10+$0x0] =	vst.idx.msk $0xffff, v0;
	s21 =	sadd.s32 s23, s21  }
0x9c: {  	v3 =	vld [tilespmem:s21+$0x0];
	_ =	sdelay $0x4  }
0x9d: {  	v3 =	vtrunc.f32 v3  }
0x9e: {  	v3 =	vcvt.f32.s32 v3;
	_ =	sdelay $0x1  }
0x9f: {  	vm0 =	vgt.s32 v3, $0x0  }
0xa0: {  	v3 =	vnsel vm0, $0x0, v3  }
0xa1: {  	s31 =	sadd.s32 $0x800, s22;
	v3 =	vmin.u32 v3, $0x7F  }
0xa2: {  	v3 =	vor.u32 s31, v3  }
0xa3: {  	v3 =	vor.u32 v1, v3;
	_ =	sdelay $0x3  }
0xa4: {  	s19 =	sadd.s32 s19, s16  }
0xa5: {  	s19 =	sadd.s32 s20, s19;
	[tilespmem:v3+s10+$0x0] =	vst.idx.msk $0xffff, v0  }
0xa6: {  	v3 =	vld [tilespmem:s19+$0x0];
	_ =	sdelay $0x4  }
0xa7: {  	v3 =	vtrunc.f32 v3  }
0xa8: {  	v3 =	vcvt.f32.s32 v3;
	_ =	sdelay $0x1  }
0xa9: {  	vm15 =	vgt.s32 v3, $0x0  }
0xaa: {  	v3 =	vnsel vm15, $0x0, v3  }
0xab: {  	v3 =	vmin.u32 v3, $0x7F  }
0xac: {  	v3 =	vor.u32 s17, v3  }
0xad: {  	v3 =	vor.u32 v1, v3;
	_ =	sdelay $0x2  }
0xae: {  	s20 =	sand.u32 $0x80, s18;
	s19 =	simm.s32 $0x20  }
.LBB2_11:
0xaf: {  	p0 =	sne.s32 s19, $0xF0;
	s18 =	sand.u32 $0x70, s18;
	s20 =	sadd.s32 s20, s16  }
0xb0: {  	s20 =	sadd.s32 s18, s20;
	[tilespmem:v3+s10+$0x0] =	vst.idx.msk $0xffff, v2;
	s18 =	smov.u32 s19  }
0xb1: {  	v3 =	vld [tilespmem:s20+$0x0];
	_ =	sdelay $0x4  }
0xb2: {  	v3 =	vtrunc.f32 v3  }
0xb3: {  	v3 =	vcvt.f32.s32 v3;
	_ =	sdelay $0x1  }
0xb4: {  	vm0 =	vgt.s32 v3, $0x0  }
0xb5: {  	v3 =	vnsel vm0, $0x0, v3  }
0xb6: {  	s17 =	sadd.s32 $0x800, s17;
	v3 =	vmin.u32 v3, $0x7F  }
.Ltmp4:
0xb7: {  	v3 =	vor.u32 s17, v3;
	(pc) =	sbr.rel @p0 .LBB2_11-.Ltmp4, $2  }
0xb8: {  	v3 =	vor.u32 v1, v3;
	_ =	sdelay $0x2  }
0xb9: {  	s19 =	sadd.s32 $0x10, s19;
	s20 =	sand.u32 $0x80, s18  }
0xba: {  	_ =	sdelay $0x2  }
0xbb: {  	s18 =	sand.u32 $0x70, s18;
	s19 =	sadd.s32 s20, s16  }
0xbc: {  	[tilespmem:v3+s10+$0x0] =	vst.idx.msk $0xffff, v2;
	s18 =	sadd.s32 s18, s19  }
0xbd: {  	v3 =	vld [tilespmem:s18+$0x0];
	_ =	sdelay $0x4  }
0xbe: {  	v3 =	vtrunc.f32 v3  }
0xbf: {  	v3 =	vcvt.f32.s32 v3;
	_ =	sdelay $0x1  }
0xc0: {  	vm0 =	vgt.s32 v3, $0x0  }
0xc1: {  	v3 =	vnsel vm0, $0x0, v3  }
0xc2: {  	s17 =	sadd.s32 $0x800, s17;
	v3 =	vmin.u32 v3, $0x7F  }
0xc3: {  	v3 =	vor.u32 s17, v3  }
0xc4: {  	v3 =	vor.u32 v1, v3;
	_ =	sdelay $0x1  }
0xc5: {  	s26 =	sshll.u32 s15, $0x10  }
0xc6: {  	s17 =	sadd.s32 s6, s26  }
0xc7: {  	s17 =	sshrl.u32 s17, $0x3  }
0xc8: {  	s29 =	simm.s32 $0x0;
	s30 =	simm.s32 $0x8000;
	s28 =	sadd.s32 s2, s17;
	[tilespmem:v3+s10+$0x0] =	vst.idx.msk $0xffff, v2  }
0xc9: {  	[hbm4b:s28+s29] =	stream.linear.scatter [tilespmem:s30], [sflag:$0x1], $0x8000, $0x38;
	[tilespmem:$0x18000] =	vst v63  }
0xca: {  	s16 =	sadd.s32 $0xFFFFFF00, s16;
	s31 =	sand.u32 $0x80, s29;
	_ =	swait.ge [sflag:s13], $0x8000  }
0xcb: {  	s18 =	sand.u32 $0x70, s29;
	s19 =	sadd.s32 s31, s16;
	[sflag:s13] =	ssyncset.done $0x0  }
0xcc: {  	s18 =	sadd.s32 s18, s19;
	[sflag:s13] =	ssyncadd.s32 $0xFFFF8000  }
0xcd: {  	v3 =	vld [tilespmem:s18+$0x0];
	_ =	sdelay $0x4  }
0xce: {  	v3 =	vtrunc.f32 v3  }
0xcf: {  	v3 =	vcvt.f32.s32 v3;
	_ =	sdelay $0x1  }
0xd0: {  	vm15 =	vgt.s32 v3, $0x0  }
0xd1: {  	v3 =	vnsel vm15, $0x0, v3  }
0xd2: {  	v3 =	vmin.u32 v3, $0x7F  }
0xd3: {  	v3 =	vor.u32 s30, v3  }
0xd4: {  	v3 =	vor.u32 v1, v3;
	_ =	sdelay $0x1  }
0xd5: {  	s18 =	simm.s32 $0x10  }
0xd6: {  	s19 =	simm.s32 $0x9000;
	s17 =	simm.s32 $0x8800;
	s20 =	sand.u32 $0x80, s18  }
.LBB2_13:
0xd7: {  	p0 =	seq.s32 s19, $0xF800;
	s21 =	sand.u32 $0x70, s18;
	s20 =	sadd.s32 s20, s16  }
0xd8: {  	s20 =	sadd.s32 s21, s20;
	[tilespmem:v3+s10+$0x0] =	vst.idx.msk $0xffff, v0  }
0xd9: {  	v3 =	vld [tilespmem:s20+$0x0];
	_ =	sdelay $0x4  }
0xda: {  	v3 =	vtrunc.f32 v3  }
0xdb: {  	v3 =	vcvt.f32.s32 v3;
	_ =	sdelay $0x1  }
0xdc: {  	vm0 =	vgt.s32 v3, $0x0  }
0xdd: {  	v3 =	vnsel vm0, $0x0, v3  }
0xde: {  	v3 =	vmin.u32 v3, $0x7F  }
.Ltmp5:
0xdf: {  	v3 =	vor.u32 s17, v3;
	s17 =	smov.u32 s19;
	(pc) =	sbr.rel @!p0 .LBB2_13-.Ltmp5, $3  }
0xe0: {  	v3 =	vor.u32 v1, v3;
	_ =	sdelay $0x1  }
0xe1: {  	s18 =	sadd.s32 $0x10, s18  }
0xe2: {  	s20 =	sand.u32 $0x80, s18;
	s19 =	sadd.s32 $0x800, s19  }
0xe3: {  	_ =	sdelay $0x2  }
0xe4: {  	s18 =	sand.u32 $0x70, s18;
	s16 =	sadd.s32 s20, s16  }
0xe5: {  	[tilespmem:v3+s10+$0x0] =	vst.idx.msk $0xffff, v0;
	s16 =	sadd.s32 s18, s16  }
0xe6: {  	v3 =	vld [tilespmem:s16+$0x0];
	_ =	sdelay $0x4  }
0xe7: {  	v3 =	vtrunc.f32 v3  }
0xe8: {  	v3 =	vcvt.f32.s32 v3;
	_ =	sdelay $0x1  }
0xe9: {  	vm0 =	vgt.s32 v3, $0x0  }
0xea: {  	v3 =	vnsel vm0, $0x0, v3  }
0xeb: {  	v3 =	vmin.u32 v3, $0x7F  }
0xec: {  	v3 =	vor.u32 s17, v3  }
0xed: {  	v3 =	vor.u32 v1, v3  }
0xee: {  	s16 =	sshllo.u32 s15, $0x1  }
0xef: {  	s19 =	simm.s32 $0x0;
	s29 =	sshll.u32 s16, $0x8  }
0xf0: {  	s31 =	sand.u32 $0x80, s19;
	s17 =	sand.u32 $0x3FFFFF00, s29  }
0xf1: {  	s19 =	sand.u32 $0x70, s19;
	s20 =	sadd.s32 s31, s17  }
0xf2: {  	s19 =	sadd.s32 s19, s20;
	[tilespmem:v3+s10+$0x0] =	vst.idx.msk $0xffff, v0  }
0xf3: {  	v3 =	vld [tilespmem:s19+$0x0];
	_ =	sdelay $0x4  }
0xf4: {  	v3 =	vtrunc.f32 v3  }
0xf5: {  	v3 =	vcvt.f32.s32 v3;
	_ =	sdelay $0x1  }
0xf6: {  	vm15 =	vgt.s32 v3, $0x0  }
0xf7: {  	v3 =	vnsel vm15, $0x0, v3  }
0xf8: {  	s30 =	simm.s32 $0x8000;
	v3 =	vmin.u32 v3, $0x7F  }
0xf9: {  	v3 =	vor.u32 s30, v3  }
0xfa: {  	v3 =	vor.u32 v1, v3;
	_ =	sdelay $0x1  }
0xfb: {  	s19 =	simm.s32 $0x10  }
0xfc: {  	s18 =	simm.s32 $0x8800;
	s20 =	simm.s32 $0x9000;
	s21 =	sand.u32 $0x80, s19  }
.LBB2_15:
0xfd: {  	p0 =	sne.s32 s20, $0xF800;
	s22 =	sand.u32 $0x70, s19;
	s21 =	sadd.s32 s21, s17  }
0xfe: {  	s21 =	sadd.s32 s22, s21;
	[tilespmem:v3+s10+$0x0] =	vst.idx.msk $0xffff, v2  }
0xff: {  	v3 =	vld [tilespmem:s21+$0x0];
	_ =	sdelay $0x4  }
0x100: {  	v3 =	vtrunc.f32 v3  }
0x101: {  	v3 =	vcvt.f32.s32 v3;
	_ =	sdelay $0x1  }
0x102: {  	vm0 =	vgt.s32 v3, $0x0  }
0x103: {  	v3 =	vnsel vm0, $0x0, v3  }
0x104: {  	v3 =	vmin.u32 v3, $0x7F  }
.Ltmp6:
0x105: {  	v3 =	vor.u32 s18, v3;
	s18 =	smov.u32 s20;
	(pc) =	sbr.rel @p0 .LBB2_15-.Ltmp6, $3  }
0x106: {  	v3 =	vor.u32 v1, v3;
	_ =	sdelay $0x1  }
0x107: {  	s19 =	sadd.s32 $0x10, s19  }
0x108: {  	s21 =	sand.u32 $0x80, s19;
	s20 =	sadd.s32 $0x800, s20  }
0x109: {  	_ =	sdelay $0x2  }
0x10a: {  	s19 =	sand.u32 $0x70, s19;
	s17 =	sadd.s32 s21, s17  }
0x10b: {  	[tilespmem:v3+s10+$0x0] =	vst.idx.msk $0xffff, v2;
	s17 =	sadd.s32 s19, s17  }
0x10c: {  	v3 =	vld [tilespmem:s17+$0x0];
	_ =	sdelay $0x4  }
0x10d: {  	v3 =	vtrunc.f32 v3  }
0x10e: {  	v3 =	vcvt.f32.s32 v3;
	_ =	sdelay $0x1  }
0x10f: {  	vm0 =	vgt.s32 v3, $0x0  }
0x110: {  	v3 =	vnsel vm0, $0x0, v3  }
0x111: {  	v3 =	vmin.u32 v3, $0x7F  }
0x112: {  	v3 =	vor.u32 s18, v3  }
0x113: {  	s15 =	sadd.s32 $0x1, s15;
	v3 =	vor.u32 v1, v3  }
0x114: {  	p0 =	sne.s32 s15, $0x40  }
.Ltmp7:
0x115: {  	s16 =	sshll.u32 s16, $0xF;
	(pc) =	sbr.rel @p0 .LBB2_8-.Ltmp7, $4  }
0x116: {  	s16 =	sadd.s32 s6, s16  }
0x117: {  	s16 =	sshrl.u32 s16, $0x3  }
0x118: {  	s16 =	sadd.s32 s2, s16;
	[tilespmem:v3+s10+$0x0] =	vst.idx.msk $0xffff, v2  }
0x119: {  	[hbm4b:s16+s3] =	stream.linear.scatter [tilespmem:s11], [sflag:$0x2], $0x8000, $0x38;
	[tilespmem:$0x18000] =	vst v63  }
0x11a: {  	s14 =	sadd.s32 $0x1, s14  }
0x11b: {  	_ =	swait.ge [sflag:s12], $0x8000;
	p0 =	sne.s32 s14, s8  }
.Ltmp8:
0x11c: {  	[sflag:s12] =	ssyncset.done $0x0;
	(pc) =	sbr.rel @p0 .LBB2_1-.Ltmp8, $4  }
0x11d: {  	[sflag:s12] =	ssyncadd.s32 $0xFFFF8000  }
0x11e: {  	_ =	swait.ge [sflag:s13], $0x8000  }
0x11f: {  	[sflag:s13] =	ssyncset.done $0x0  }
0x120: {  	[sflag:s13] =	ssyncadd.s32 $0xFFFF8000  }
0x121: {  	_ =	sfence.sel $0x180000  }
0x122: {  	[bflag:$0x0] =	sbarrier.arrive $0xFFFF  }
0x123: {  	p0 =	sne.s32 s1, $0x0;
	_ =	strace $0x90000047  }
0x124: {  	s0 =	sadd.s32 @!p0 $0x100000, s0;
	[bflag:$0x2] =	sbarrier.arrive $0xFFFF  }
0x125: {  	[sflag:s0] =	ssyncadd.tile.s32 @!p0 $0x1;
	_ =	shalt  }
.Lfunc_end2:
_tile_overlayer_lowered:
.L_overlay_start_2:
0x126: {  	(tag) =	ssettag $0x2  }
0x127: {  	s0 =	rddreg [dreg:$0x0];
	s2 =	stileid.u32  }
0x128: {  	s1 =	rddreg [dreg:$0x1];
	p0 =	sne.s32 s2, $0x0  }
0x129: {  	s3 =	rddreg [dreg:$0x2];
	[bflag:$0x3] =	sbarrier.arrive $0xFFFF;
	s2 =	simm.s32 @!p0 $0x1C04  }
0x12a: {  	[timem:s3], [sflag:s2] =	dma.local @!p0 [hbm:s0], s1  }
0x12b: {  	s0 =	simm.s32 @!p0 $0x4  }
0x12c: {  	_ =	swait.ge @!p0 [sflag:s0], s1  }
0x12d: {  	s1 =	ssub.s32 @!p0 $0x0, s1;
	[sflag:s0] =	ssyncset.done @!p0 $0x0  }
0x12e: {  	[sflag:s0] =	ssyncadd.s32 @!p0 s1  }
0x12f: {  	[bflag:$0x3] =	sbarrier.arrive $0xFFFF  }
0x130: {  	_ =	shalt  }

</sc_bundles>
